<compile_context>
chip_gen: v7x
topology: tpu7x:2x2x1
jax: 0.10.2.dev20260603
libtpu: 0.0.44.dev20260713+nightly
codegen_flags: <defaults>
</compile_context>

<pallas_src>
import functools

import jax
import jax.numpy as jnp
from jax import lax
from jax.experimental import pallas as pl
from jax.experimental.pallas import tpu as pltpu
from jax.experimental.pallas import tpu_sc as plsc

_B, _F, _V, _D, _C = 16384, 26, 100000, 16, 13
_H0, _H1 = 512, 256
_E = _F * _D
_EPS = 1e-5

_NC, _NS = 2, 16
_NW = _NC * _NS
_RPW = _E // _NW
_VA = 50048
_VB = _V - _VA
_W = _B // 2


def _round_bf16_bits(g):
  u = plsc.bitcast(g, jnp.int32)
  lsb = lax.shift_right_logical(u, 16) & 1
  return lax.shift_right_logical(u + 0x7FFF + lsb, 16)


def _make_gather():
  mesh = plsc.VectorSubcoreMesh(core_axis_name="c", subcore_axis_name="s")

  @functools.partial(
      pl.kernel,
      mesh=mesh,
      out_type=jax.ShapeDtypeStruct((_E, _W), jnp.int32),
      scratch_types=[
          pltpu.VMEM((_VA,), jnp.float32),
          pltpu.VMEM((_VB,), jnp.float32),
          pltpu.VMEM((_B,), jnp.int32),
          pltpu.VMEM((_W,), jnp.int32),
          pltpu.SemaphoreType.DMA,
          pltpu.SemaphoreType.DMA,
          pltpu.SemaphoreType.DMA,
      ],
      compiler_params=pltpu.CompilerParams(use_tc_tiling_on_sc=True,
                                           needs_layout_passes=False),
  )
  def gather_k(m_hbm, idx_hbm, out_hbm, row_a, row_b, idx_v, out_v,
               sem_a, sem_b, sem_w):
    wid = lax.axis_index("s") * _NC + lax.axis_index("c")
    r0 = wid * _RPW
    pltpu.async_copy(m_hbm.at[r0, pl.ds(0, _VA)], row_a, sem_a)

    def do_row(t, prev_i):
      r = r0 + t
      i = r // _D
      pltpu.make_async_copy(m_hbm.at[r, pl.ds(0, _VA)], row_a, sem_a).wait()

      @pl.when(i != prev_i)
      def _():
        pltpu.sync_copy(idx_hbm.at[i, :], idx_v)

      pltpu.async_copy(m_hbm.at[r, pl.ds(_VA, _VB)], row_b, sem_b)

      @pl.when(t > 0)
      def _():
        pltpu.make_async_copy(out_v, out_hbm.at[r - 1, :], sem_w).wait()

      @plsc.parallel_loop(0, _W // 16, unroll=8)
      def _(g):
        o = pl.multiple_of(g * 32, 32)
        ve = idx_v[pl.ds(o, 16)]
        vo = idx_v[pl.ds(o + 16, 16)]
        ge = plsc.load_gather(row_a, [jnp.minimum(ve, _VA - 1)],
                              mask=ve < _VA)
        go = plsc.load_gather(row_a, [jnp.minimum(vo, _VA - 1)],
                              mask=vo < _VA)
        word = (_round_bf16_bits(ge) & 0xFFFF) | lax.shift_left(
            _round_bf16_bits(go), 16)
        out_v[pl.ds(pl.multiple_of(g * 16, 16), 16)] = word

      pltpu.make_async_copy(m_hbm.at[r, pl.ds(_VA, _VB)], row_b, sem_b).wait()

      @pl.when(t + 1 < _RPW)
      def _():
        pltpu.async_copy(m_hbm.at[r + 1, pl.ds(0, _VA)], row_a, sem_a)

      @plsc.parallel_loop(0, _W // 16, unroll=8)
      def _(g):
        o = pl.multiple_of(g * 32, 32)
        ve = idx_v[pl.ds(o, 16)]
        vo = idx_v[pl.ds(o + 16, 16)]
        me = ve >= _VA
        mo = vo >= _VA
        ge = plsc.load_gather(row_b, [jnp.maximum(ve - _VA, 0)], mask=me)
        go = plsc.load_gather(row_b, [jnp.maximum(vo - _VA, 0)], mask=mo)
        word = out_v[pl.ds(pl.multiple_of(g * 16, 16), 16)]
        low = jnp.where(me, _round_bf16_bits(ge), word & 0xFFFF)
        high = jnp.where(mo, _round_bf16_bits(go),
                         lax.shift_right_logical(word, 16))
        out_v[pl.ds(pl.multiple_of(g * 16, 16), 16)] = low | lax.shift_left(
            high, 16)

      pltpu.async_copy(out_v, out_hbm.at[r, :], sem_w)
      return i

    lax.fori_loop(0, _RPW, do_row, jnp.int32(-1))
    pltpu.make_async_copy(out_v, out_hbm.at[r0 + _RPW - 1, :], sem_w).wait()

  return gather_k


_gather = _make_gather()


def _mlp_body(xcf_ref, emb_ref, xc_ref, w0a_ref, w0b_ref, b0_ref, w1_ref,
              b1_ref, wo_ref, bo_ref, out_ref, stats_ref):
  @pl.when(pl.program_id(0) == 0)
  def _():
    xc = xcf_ref[...]
    m = jnp.mean(xc, axis=1, keepdims=True)
    v = jnp.mean(xc * xc, axis=1, keepdims=True) - m * m
    stats_ref[:, 0:1] = m
    stats_ref[:, 1:2] = lax.rsqrt(v + _EPS)

  m = stats_ref[:, 0:1]
  rstd = stats_ref[:, 1:2]
  x2 = (xc_ref[...] - m) * rstd
  w = emb_ref[...]
  even = lax.bitcast_convert_type(lax.shift_left(w, 16), jnp.float32)
  odd = lax.bitcast_convert_type(w & jnp.int32(-65536), jnp.float32)
  emb = jnp.concatenate([even, odd], axis=1).astype(jnp.bfloat16)
  h = lax.dot_general(w0a_ref[...], emb,
                      (((1,), (0,)), ((), ())),
                      preferred_element_type=jnp.float32)
  h = h + lax.dot_general(w0b_ref[...], x2,
                          (((1,), (0,)), ((), ())),
                          preferred_element_type=jnp.float32)
  h = jnp.maximum(h + b0_ref[...], 0.0)
  h = lax.dot_general(w1_ref[...], h,
                      (((1,), (0,)), ((), ())),
                      preferred_element_type=jnp.float32)
  h = jnp.maximum(h + b1_ref[...], 0.0)
  out_ref[...] = jnp.sum(h * wo_ref[...], axis=0, keepdims=True) + bo_ref[...]


_BLKN = 1024


def _mlp(embW, xcT, xcT_d, w0a, w0b_eff, b0c, w1, b1c, wo_c, bo_c):
  grid = (_B // _BLKN,)
  return pl.pallas_call(
      _mlp_body,
      grid=grid,
      in_specs=[
          pl.BlockSpec((_C, _B), lambda j: (0, 0)),
          pl.BlockSpec((_E, _BLKN // 2), lambda j: (0, j)),
          pl.BlockSpec((_C, _BLKN), lambda j: (0, j)),
          pl.BlockSpec((_H0, _E), lambda j: (0, 0)),
          pl.BlockSpec((_H0, _C), lambda j: (0, 0)),
          pl.BlockSpec((_H0, 1), lambda j: (0, 0)),
          pl.BlockSpec((_H1, _H0), lambda j: (0, 0)),
          pl.BlockSpec((_H1, 1), lambda j: (0, 0)),
          pl.BlockSpec((_H1, 1), lambda j: (0, 0)),
          pl.BlockSpec((1, 1), lambda j: (0, 0)),
      ],
      out_specs=pl.BlockSpec((1, _BLKN), lambda j: (0, j)),
      out_shape=jax.ShapeDtypeStruct((1, _B), jnp.float32),
      scratch_shapes=[pltpu.VMEM((_C, 128), jnp.float32)],
  )(xcT, embW, xcT_d, w0a, w0b_eff, b0c, w1, b1c, wo_c, bo_c)


def _perm1024(x):
  n, b = x.shape
  return (x.reshape(n, b // 1024, 32, 2, 16)
          .transpose(0, 1, 3, 2, 4)
          .reshape(n, b))


def kernel(x_cat, x_cont, tables, gamma, beta, W0, b0, W1, b1, Wout, bout):
  m_mat = jnp.transpose(tables, (0, 2, 1)).reshape(_E, _V)
  idxT = x_cat.T
  xcT = x_cont.T
  xcT_d = _perm1024(xcT)

  embW = _gather(m_mat, idxT)

  w0a = W0[:, :_E].astype(jnp.bfloat16)
  w0b = W0[:, _E:]
  w0b_eff = w0b * gamma[None, :]
  b0c = (b0 + w0b @ beta).reshape(_H0, 1)
  b1c = b1.reshape(_H1, 1)
  wo_c = Wout.reshape(_H1, 1)
  bo_c = bout.reshape(1, 1)

  outT = _mlp(embW, xcT, xcT_d, w0a, w0b_eff, b0c, W1, b1c, wo_c, bo_c)
  return (outT.reshape(_B // _BLKN, 2, 32, 16)
          .transpose(0, 2, 1, 3)
          .reshape(_B, 1))

# --- scband reference (transcript-rebuilt; emitter-appended) ---
"""Pipeline reference for scband-multi-input-nn-88914412961943 (READ-ONLY COPY).

The authoritative reference and input builder live on the scoring server;
editing this copy changes nothing except your own understanding.
"""

import jax, jax.numpy as jnp
import numpy as np

B, F, V, D, C = 16384, 26, 100000, 16, 13
SIZES = [F * D + C, 512, 256]
EPS = 1e-5


def setup_inputs(seed: int = 0) -> dict:
    key = jax.random.key(seed)
    ks = jax.random.split(key, 12)
    x_cat = jax.random.randint(ks[0], (B, F), 0, V, dtype=jnp.int32)
    x_cont = jax.random.normal(ks[1], (B, C), dtype=jnp.float32)
    # embedding init: uniform(-v, v) with v = 2/(embedding_dim+1)
    v = 2.0 / (D + 1)
    tables = jax.random.uniform(ks[2], (F, V, D), minval=-v, maxval=v, dtype=jnp.float32)
    # kaiming-normal linear weights, zero-ish biases (torch default uniform; use small uniform)
    W0 = jax.random.normal(ks[3], (SIZES[1], SIZES[0]), dtype=jnp.float32) * np.sqrt(2.0 / SIZES[0])
    b0 = jax.random.uniform(ks[4], (SIZES[1],), minval=-1.0 / np.sqrt(SIZES[0]), maxval=1.0 / np.sqrt(SIZES[0]), dtype=jnp.float32)
    W1 = jax.random.normal(ks[5], (SIZES[2], SIZES[1]), dtype=jnp.float32) * np.sqrt(2.0 / SIZES[1])
    b1 = jax.random.uniform(ks[6], (SIZES[2],), minval=-1.0 / np.sqrt(SIZES[1]), maxval=1.0 / np.sqrt(SIZES[1]), dtype=jnp.float32)
    Wout = jax.random.normal(ks[7], (1, SIZES[2]), dtype=jnp.float32) * np.sqrt(2.0 / SIZES[2])
    bout = jax.random.uniform(ks[8], (1,), minval=-1.0 / np.sqrt(SIZES[2]), maxval=1.0 / np.sqrt(SIZES[2]), dtype=jnp.float32)
    gamma = jnp.ones((C,), dtype=jnp.float32)
    beta = jnp.zeros((C,), dtype=jnp.float32)
    return {"x_cat": x_cat, "x_cont": x_cont, "tables": tables, "gamma": gamma, "beta": beta,
            "W0": W0, "b0": b0, "W1": W1, "b1": b1, "Wout": Wout, "bout": bout}


def reference(x_cat, x_cont, tables, gamma, beta, W0, b0, W1, b1, Wout, bout):
    # per-field embedding lookup (gather) + concat
    embs = [jnp.take(tables[i], x_cat[:, i], axis=0) for i in range(F)]
    X = jnp.concatenate(embs, axis=1)  # [B, F*D]
    # emb_drop with p=0.0 is identity
    # BatchNorm1d in training mode: batch statistics, biased variance
    mean = jnp.mean(x_cont, axis=0)
    var = jnp.var(x_cont, axis=0)
    X2 = (x_cont - mean) / jnp.sqrt(var + EPS) * gamma + beta
    X = jnp.concatenate([X, X2], axis=1)  # [B, F*D + C]
    # hidden layers: relu(linear); use_bn=False, dropout p=0.0 identity
    X = jax.nn.relu(X @ W0.T + b0)
    X = jax.nn.relu(X @ W1.T + b1)
    out = X @ Wout.T + bout  # [B, 1]
    return out

if __name__ == "__main__":
    import jax
    _d = setup_inputs()
    print(jax.jit(kernel)(*tuple(_d.values())))

</pallas_src>

<mosaic_0001>
#map = affine_map<(d0, d1) -> (0, 0)>
module attributes {stable_mosaic.version = 14 : i64} {
  func.func @gather_k(%arg0: i32, %arg1: i32, %arg2: memref<416x100000xf32, #tpu.memory_space<hbm>>, %arg3: memref<26x16384xi32, #tpu.memory_space<hbm>>, %arg4: memref<416x8192xi32, #tpu.memory_space<hbm>>, %arg5: memref<50048xf32, #tpu.memory_space<vmem>>, %arg6: memref<49952xf32, #tpu.memory_space<vmem>>, %arg7: memref<16384xi32, #tpu.memory_space<vmem>>, %arg8: memref<8192xi32, #tpu.memory_space<vmem>>, %arg9: memref<!tpu.dma_semaphore, #tpu.memory_space<semaphore_mem>>, %arg10: memref<!tpu.dma_semaphore, #tpu.memory_space<semaphore_mem>>, %arg11: memref<!tpu.dma_semaphore, #tpu.memory_space<semaphore_mem>>) attributes {dimension_semantics = [#tpu.dimension_semantics<core_parallel>, #tpu.dimension_semantics<subcore_parallel>], iteration_bounds = array<i64: 2, 16>, scalar_prefetch = 0 : i64, scratch_operands = 7 : i64, tpu.core_type = #tpu.core_type<sc_vector_subcore>, window_params = [{transform_indices = #map}, {transform_indices = #map}, {transform_indices = #map}]} {
    %mul3A = arith.constant 2 : i32
    %mul3A_0 = arith.muli %arg1, %mul3A : i32
    %add3A = arith.addi %mul3A_0, %arg0 : i32
    %mul3A_1 = arith.constant 13 : i32
    %mul3A_2 = arith.muli %add3A, %mul3A_1 : i32
    %dma_start3A = arith.constant 0 : i32
    %dma_start3A_3 = tpu.memref_slice %arg2[%mul3A_2, %dma_start3A] : memref<416x100000xf32, #tpu.memory_space<hbm>> -> memref<1x50048xf32, #tpu.memory_space<hbm>>
    %dma_start3A_4 = tpu.memref_squeeze %dma_start3A_3 : memref<1x50048xf32, #tpu.memory_space<hbm>> -> memref<50048xf32, #tpu.memory_space<hbm>>
    %dma_start3A_5 = arith.constant 0 : i32
    %dma_start3A_6 = tpu.memref_slice %arg2[%mul3A_2, %dma_start3A_5] : memref<416x100000xf32, #tpu.memory_space<hbm>> -> memref<1x50048xf32, #tpu.memory_space<hbm>>
    %dma_start3A_7 = tpu.memref_squeeze %dma_start3A_6 : memref<1x50048xf32, #tpu.memory_space<hbm>> -> memref<50048xf32, #tpu.memory_space<hbm>>
    tpu.enqueue_dma source(%dma_start3A_7 : memref<50048xf32, #tpu.memory_space<hbm>>) target(%arg5 : memref<50048xf32, #tpu.memory_space<vmem>>) target_semaphore(%arg9 : memref<!tpu.dma_semaphore, #tpu.memory_space<semaphore_mem>>)
    %scan3A = arith.constant -1 : i32
    %scan3A_8 = arith.constant 0 : i32
    %scan3A_9 = arith.constant 13 : i32
    %scan3A_10 = arith.addi %scan3A_8, %scan3A_9 : i32
    %scan3A_11 = arith.constant 1 : i32
    %scan3A_12 = scf.for %scan3A_22 = %scan3A_8 to %scan3A_10 step %scan3A_11 iter_args(%scan3A_23 = %scan3A) -> (i32)  : i32 {
      %add3A_24 = arith.addi %mul3A_2, %scan3A_22 : i32
      %jit3A = arith.constant 16 : i32
      %div3A = arith.divsi %add3A_24, %jit3A : i32
      %sign3A = arith.constant 0 : i32
      %sign3A_25 = arith.cmpi sgt, %add3A_24, %sign3A : i32
      %sign3A_26 = arith.extui %sign3A_25 : i1 to i32
      %sign3A_27 = arith.constant 0 : i32
      %sign3A_28 = arith.cmpi slt, %add3A_24, %sign3A_27 : i32
      %sign3A_29 = arith.extui %sign3A_28 : i1 to i32
      %sign3A_30 = arith.subi %sign3A_26, %sign3A_29 : i32
      %sign3A_31 = arith.constant 0 : i32
      %sign3A_32 = arith.cmpi sgt, %jit3A, %sign3A_31 : i32
      %sign3A_33 = arith.extui %sign3A_32 : i1 to i32
      %sign3A_34 = arith.constant 0 : i32
      %sign3A_35 = arith.cmpi slt, %jit3A, %sign3A_34 : i32
      %sign3A_36 = arith.extui %sign3A_35 : i1 to i32
      %sign3A_37 = arith.subi %sign3A_33, %sign3A_36 : i32
      %ne3A = arith.cmpi ne, %sign3A_30, %sign3A_37 : i32
      %rem3A = arith.remsi %add3A_24, %jit3A : i32
      %ne3A_38 = arith.constant 0 : i32
      %ne3A_39 = arith.cmpi ne, %rem3A, %ne3A_38 : i32
      %and3A = arith.andi %ne3A, %ne3A_39 : i1
      %sub3A_40 = arith.constant 1 : i32
      %sub3A_41 = arith.subi %div3A, %sub3A_40 : i32
      %select_n3A = arith.select %and3A, %sub3A_41, %div3A : i32
      %dma_wait3A_42 = arith.constant 0 : i32
      %dma_wait3A_43 = tpu.memref_slice %arg2[%add3A_24, %dma_wait3A_42] : memref<416x100000xf32, #tpu.memory_space<hbm>> -> memref<1x50048xf32, #tpu.memory_space<hbm>>
      %dma_wait3A_44 = tpu.memref_squeeze %dma_wait3A_43 : memref<1x50048xf32, #tpu.memory_space<hbm>> -> memref<50048xf32, #tpu.memory_space<hbm>>
      %dma_wait3A_45 = arith.constant 0 : i32
      %dma_wait3A_46 = tpu.memref_slice %arg2[%add3A_24, %dma_wait3A_45] : memref<416x100000xf32, #tpu.memory_space<hbm>> -> memref<1x50048xf32, #tpu.memory_space<hbm>>
      %dma_wait3A_47 = tpu.memref_squeeze %dma_wait3A_46 : memref<1x50048xf32, #tpu.memory_space<hbm>> -> memref<50048xf32, #tpu.memory_space<hbm>>
      tpu.wait_dma2 semaphore(%arg9 : memref<!tpu.dma_semaphore, #tpu.memory_space<semaphore_mem>>) src(%dma_wait3A_47 : memref<50048xf32, #tpu.memory_space<hbm>>) dst(%arg5 : memref<50048xf32, #tpu.memory_space<vmem>>)
      %ne3A_48 = arith.cmpi ne, %select_n3A, %scan3A_23 : i32
      %convert_element_type3A = arith.extui %ne3A_48 : i1 to i32
      %cond3A = arith.constant 0 : i32
      %cond3A_49 = arith.cmpi ne, %convert_element_type3A, %cond3A : i32
      scf.if %cond3A_49 {
        "tpu.region"() ({
          %run_scoped3A = tpu.sem_alloc : memref<!tpu.dma_semaphore, #tpu.memory_space<semaphore_mem>>
          %dma_start3A_83 = arith.constant 0 : i32
          %dma_start3A_84 = tpu.memref_slice %arg3[%select_n3A, %dma_start3A_83] : memref<26x16384xi32, #tpu.memory_space<hbm>> -> memref<1x16384xi32, #tpu.memory_space<hbm>>
          %dma_start3A_85 = tpu.memref_squeeze %dma_start3A_84 : memref<1x16384xi32, #tpu.memory_space<hbm>> -> memref<16384xi32, #tpu.memory_space<hbm>>
          %dma_start3A_86 = arith.constant 0 : i32
          %dma_start3A_87 = tpu.memref_slice %arg3[%select_n3A, %dma_start3A_86] : memref<26x16384xi32, #tpu.memory_space<hbm>> -> memref<1x16384xi32, #tpu.memory_space<hbm>>
          %dma_start3A_88 = tpu.memref_squeeze %dma_start3A_87 : memref<1x16384xi32, #tpu.memory_space<hbm>> -> memref<16384xi32, #tpu.memory_space<hbm>>
          tpu.enqueue_dma source(%dma_start3A_88 : memref<16384xi32, #tpu.memory_space<hbm>>) target(%arg7 : memref<16384xi32, #tpu.memory_space<vmem>>) target_semaphore(%run_scoped3A : memref<!tpu.dma_semaphore, #tpu.memory_space<semaphore_mem>>)
          %dma_wait3A_89 = arith.constant 0 : i32
          %dma_wait3A_90 = tpu.memref_slice %arg3[%select_n3A, %dma_wait3A_89] : memref<26x16384xi32, #tpu.memory_space<hbm>> -> memref<1x16384xi32, #tpu.memory_space<hbm>>
          %dma_wait3A_91 = tpu.memref_squeeze %dma_wait3A_90 : memref<1x16384xi32, #tpu.memory_space<hbm>> -> memref<16384xi32, #tpu.memory_space<hbm>>
          %dma_wait3A_92 = arith.constant 0 : i32
          %dma_wait3A_93 = tpu.memref_slice %arg3[%select_n3A, %dma_wait3A_92] : memref<26x16384xi32, #tpu.memory_space<hbm>> -> memref<1x16384xi32, #tpu.memory_space<hbm>>
          %dma_wait3A_94 = tpu.memref_squeeze %dma_wait3A_93 : memref<1x16384xi32, #tpu.memory_space<hbm>> -> memref<16384xi32, #tpu.memory_space<hbm>>
          tpu.wait_dma2 semaphore(%run_scoped3A : memref<!tpu.dma_semaphore, #tpu.memory_space<semaphore_mem>>) src(%dma_wait3A_94 : memref<16384xi32, #tpu.memory_space<hbm>>) dst(%arg7 : memref<16384xi32, #tpu.memory_space<vmem>>)
          tpu.yield
        }) : () -> ()
      } else {
      }
      %dma_start3A_50 = arith.constant 50048 : i32
      %dma_start3A_51 = tpu.memref_slice %arg2[%add3A_24, %dma_start3A_50] : memref<416x100000xf32, #tpu.memory_space<hbm>> -> memref<1x49952xf32, #tpu.memory_space<hbm>>
      %dma_start3A_52 = tpu.memref_squeeze %dma_start3A_51 : memref<1x49952xf32, #tpu.memory_space<hbm>> -> memref<49952xf32, #tpu.memory_space<hbm>>
      %dma_start3A_53 = arith.constant 50048 : i32
      %dma_start3A_54 = tpu.memref_slice %arg2[%add3A_24, %dma_start3A_53] : memref<416x100000xf32, #tpu.memory_space<hbm>> -> memref<1x49952xf32, #tpu.memory_space<hbm>>
      %dma_start3A_55 = tpu.memref_squeeze %dma_start3A_54 : memref<1x49952xf32, #tpu.memory_space<hbm>> -> memref<49952xf32, #tpu.memory_space<hbm>>
      tpu.enqueue_dma source(%dma_start3A_55 : memref<49952xf32, #tpu.memory_space<hbm>>) target(%arg6 : memref<49952xf32, #tpu.memory_space<vmem>>) target_semaphore(%arg10 : memref<!tpu.dma_semaphore, #tpu.memory_space<semaphore_mem>>)
      %gt3A = arith.constant 0 : i32
      %gt3A_56 = arith.cmpi sgt, %scan3A_22, %gt3A : i32
      %convert_element_type3A_57 = arith.extui %gt3A_56 : i1 to i32
      %cond3A_58 = arith.constant 0 : i32
      %cond3A_59 = arith.cmpi ne, %convert_element_type3A_57, %cond3A_58 : i32
      scf.if %cond3A_59 {
        %sub3A_83 = arith.constant 1 : i32
        %sub3A_84 = arith.subi %add3A_24, %sub3A_83 : i32
        %dma_wait3A_85 = arith.constant 0 : i32
        %dma_wait3A_86 = tpu.memref_slice %arg4[%sub3A_84, %dma_wait3A_85] : memref<416x8192xi32, #tpu.memory_space<hbm>> -> memref<1x8192xi32, #tpu.memory_space<hbm>>
        %dma_wait3A_87 = tpu.memref_squeeze %dma_wait3A_86 : memref<1x8192xi32, #tpu.memory_space<hbm>> -> memref<8192xi32, #tpu.memory_space<hbm>>
        %dma_wait3A_88 = arith.constant 0 : i32
        %dma_wait3A_89 = tpu.memref_slice %arg4[%sub3A_84, %dma_wait3A_88] : memref<416x8192xi32, #tpu.memory_space<hbm>> -> memref<1x8192xi32, #tpu.memory_space<hbm>>
        %dma_wait3A_90 = tpu.memref_squeeze %dma_wait3A_89 : memref<1x8192xi32, #tpu.memory_space<hbm>> -> memref<8192xi32, #tpu.memory_space<hbm>>
        tpu.wait_dma2 semaphore(%arg11 : memref<!tpu.dma_semaphore, #tpu.memory_space<semaphore_mem>>) src(%arg8 : memref<8192xi32, #tpu.memory_space<vmem>>) dst(%dma_wait3A_90 : memref<8192xi32, #tpu.memory_space<hbm>>)
      } else {
      }
      %parallel_loop3A = arith.constant 0 : i32
      %parallel_loop3A_60 = arith.constant 512 : i32
      %parallel_loop3A_61 = arith.constant 1 : i32
      scf.for %parallel_loop3A_83 = %parallel_loop3A to %parallel_loop3A_60 step %parallel_loop3A_61  : i32 {
        %parallel_loop3A_84 = arith.constant 32 : i32
        %parallel_loop3A_85 = arith.muli %parallel_loop3A_83, %parallel_loop3A_84 : i32
        %parallel_loop3A_86 = tpu.assume_multiple %parallel_loop3A_85, 32 : i32
        %parallel_loop3A_87 = arith.index_cast %parallel_loop3A_86 : i32 to index
        %parallel_loop3A_88 = tpu.vector_load %arg7[%parallel_loop3A_87] {strides = array<i32>} : memref<16384xi32, #tpu.memory_space<vmem>>, vector<16xi32>,
        %parallel_loop3A_89 = arith.constant 16 : i32
        %parallel_loop3A_90 = arith.addi %parallel_loop3A_86, %parallel_loop3A_89 : i32
        %parallel_loop3A_91 = arith.index_cast %parallel_loop3A_90 : i32 to index
        %parallel_loop3A_92 = tpu.vector_load %arg7[%parallel_loop3A_91] {strides = array<i32>} : memref<16384xi32, #tpu.memory_space<vmem>>, vector<16xi32>,
        %parallel_loop3A_93 = arith.constant 50047 : i32
        %parallel_loop3A_94 = vector.broadcast %parallel_loop3A_93 : i32 to vector<16xi32>
        %parallel_loop3A_95 = arith.minsi %parallel_loop3A_88, %parallel_loop3A_94 : vector<16xi32>
        %parallel_loop3A_96 = arith.constant 50048 : i32
        %parallel_loop3A_97 = vector.broadcast %parallel_loop3A_96 : i32 to vector<16xi32>
        %parallel_loop3A_98 = arith.cmpi slt, %parallel_loop3A_88, %parallel_loop3A_97 : vector<16xi32>
        %parallel_loop3A_99 = tpu.vector_load_idx %arg5[%parallel_loop3A_95] masked %parallel_loop3A_98 : memref<50048xf32, #tpu.memory_space<vmem>>[vector<16xi32>], vector<16xf32>, vector<16xi1>
        %parallel_loop3A_100 = arith.constant 50047 : i32
        %parallel_loop3A_101 = vector.broadcast %parallel_loop3A_100 : i32 to vector<16xi32>
        %parallel_loop3A_102 = arith.minsi %parallel_loop3A_92, %parallel_loop3A_101 : vector<16xi32>
        %parallel_loop3A_103 = arith.constant 50048 : i32
        %parallel_loop3A_104 = vector.broadcast %parallel_loop3A_103 : i32 to vector<16xi32>
        %parallel_loop3A_105 = arith.cmpi slt, %parallel_loop3A_92, %parallel_loop3A_104 : vector<16xi32>
        %parallel_loop3A_106 = tpu.vector_load_idx %arg5[%parallel_loop3A_102] masked %parallel_loop3A_105 : memref<50048xf32, #tpu.memory_space<vmem>>[vector<16xi32>], vector<16xf32>, vector<16xi1>
        %parallel_loop3A_107 = vector.bitcast %parallel_loop3A_99 : vector<16xf32> to vector<16xi32>
        %parallel_loop3A_108 = arith.constant 16 : i32
        %parallel_loop3A_109 = vector.broadcast %parallel_loop3A_108 : i32 to vector<16xi32>
        %parallel_loop3A_110 = arith.shrui %parallel_loop3A_107, %parallel_loop3A_109 : vector<16xi32>
        %parallel_loop3A_111 = arith.constant 1 : i32
        %parallel_loop3A_112 = vector.broadcast %parallel_loop3A_111 : i32 to vector<16xi32>
        %parallel_loop3A_113 = arith.andi %parallel_loop3A_110, %parallel_loop3A_112 : vector<16xi32>
        %parallel_loop3A_114 = arith.constant 32767 : i32
        %parallel_loop3A_115 = vector.broadcast %parallel_loop3A_114 : i32 to vector<16xi32>
        %parallel_loop3A_116 = arith.addi %parallel_loop3A_107, %parallel_loop3A_115 : vector<16xi32>
        %parallel_loop3A_117 = arith.addi %parallel_loop3A_116, %parallel_loop3A_113 : vector<16xi32>
        %parallel_loop3A_118 = arith.constant 16 : i32
        %parallel_loop3A_119 = vector.broadcast %parallel_loop3A_118 : i32 to vector<16xi32>
        %parallel_loop3A_120 = arith.shrui %parallel_loop3A_117, %parallel_loop3A_119 : vector<16xi32>
        %parallel_loop3A_121 = arith.constant 65535 : i32
        %parallel_loop3A_122 = vector.broadcast %parallel_loop3A_121 : i32 to vector<16xi32>
        %parallel_loop3A_123 = arith.andi %parallel_loop3A_120, %parallel_loop3A_122 : vector<16xi32>
        %parallel_loop3A_124 = vector.bitcast %parallel_loop3A_106 : vector<16xf32> to vector<16xi32>
        %parallel_loop3A_125 = arith.constant 16 : i32
        %parallel_loop3A_126 = vector.broadcast %parallel_loop3A_125 : i32 to vector<16xi32>
        %parallel_loop3A_127 = arith.shrui %parallel_loop3A_124, %parallel_loop3A_126 : vector<16xi32>
        %parallel_loop3A_128 = arith.constant 1 : i32
        %parallel_loop3A_129 = vector.broadcast %parallel_loop3A_128 : i32 to vector<16xi32>
        %parallel_loop3A_130 = arith.andi %parallel_loop3A_127, %parallel_loop3A_129 : vector<16xi32>
        %parallel_loop3A_131 = arith.constant 32767 : i32
        %parallel_loop3A_132 = vector.broadcast %parallel_loop3A_131 : i32 to vector<16xi32>
        %parallel_loop3A_133 = arith.addi %parallel_loop3A_124, %parallel_loop3A_132 : vector<16xi32>
        %parallel_loop3A_134 = arith.addi %parallel_loop3A_133, %parallel_loop3A_130 : vector<16xi32>
        %parallel_loop3A_135 = arith.constant 16 : i32
        %parallel_loop3A_136 = vector.broadcast %parallel_loop3A_135 : i32 to vector<16xi32>
        %parallel_loop3A_137 = arith.shrui %parallel_loop3A_134, %parallel_loop3A_136 : vector<16xi32>
        %parallel_loop3A_138 = arith.constant 16 : i32
        %parallel_loop3A_139 = vector.broadcast %parallel_loop3A_138 : i32 to vector<16xi32>
        %parallel_loop3A_140 = arith.shli %parallel_loop3A_137, %parallel_loop3A_139 : vector<16xi32>
        %parallel_loop3A_141 = arith.ori %parallel_loop3A_123, %parallel_loop3A_140 : vector<16xi32>
        %parallel_loop3A_142 = arith.constant 16 : i32
        %parallel_loop3A_143 = arith.muli %parallel_loop3A_83, %parallel_loop3A_142 : i32
        %parallel_loop3A_144 = tpu.assume_multiple %parallel_loop3A_143, 16 : i32
        %parallel_loop3A_145 = arith.index_cast %parallel_loop3A_144 : i32 to index
        %parallel_loop3A_146 = tpu.vector_load %arg8[%parallel_loop3A_145] {strides = array<i32>} : memref<8192xi32, #tpu.memory_space<vmem>>, vector<16xi32>,
        tpu.vector_store %arg8[%parallel_loop3A_145], %parallel_loop3A_141 {strides = array<i32>} : memref<8192xi32, #tpu.memory_space<vmem>>, vector<16xi32>,
      } {sc.loop_unroll_factor = 8 : i64, sc.parallel_access}
      %dma_wait3A_62 = arith.constant 50048 : i32
      %dma_wait3A_63 = tpu.memref_slice %arg2[%add3A_24, %dma_wait3A_62] : memref<416x100000xf32, #tpu.memory_space<hbm>> -> memref<1x49952xf32, #tpu.memory_space<hbm>>
      %dma_wait3A_64 = tpu.memref_squeeze %dma_wait3A_63 : memref<1x49952xf32, #tpu.memory_space<hbm>> -> memref<49952xf32, #tpu.memory_space<hbm>>
      %dma_wait3A_65 = arith.constant 50048 : i32
      %dma_wait3A_66 = tpu.memref_slice %arg2[%add3A_24, %dma_wait3A_65] : memref<416x100000xf32, #tpu.memory_space<hbm>> -> memref<1x49952xf32, #tpu.memory_space<hbm>>
      %dma_wait3A_67 = tpu.memref_squeeze %dma_wait3A_66 : memref<1x49952xf32, #tpu.memory_space<hbm>> -> memref<49952xf32, #tpu.memory_space<hbm>>
      tpu.wait_dma2 semaphore(%arg10 : memref<!tpu.dma_semaphore, #tpu.memory_space<semaphore_mem>>) src(%dma_wait3A_67 : memref<49952xf32, #tpu.memory_space<hbm>>) dst(%arg6 : memref<49952xf32, #tpu.memory_space<vmem>>)
      %add3A_68 = arith.constant 1 : i32
      %add3A_69 = arith.addi %scan3A_22, %add3A_68 : i32
      %lt3A = arith.constant 13 : i32
      %lt3A_70 = arith.cmpi slt, %add3A_69, %lt3A : i32
      %convert_element_type3A_71 = arith.extui %lt3A_70 : i1 to i32
      %cond3A_72 = arith.constant 0 : i32
      %cond3A_73 = arith.cmpi ne, %convert_element_type3A_71, %cond3A_72 : i32
      scf.if %cond3A_73 {
        %add3A_83 = arith.constant 1 : i32
        %add3A_84 = arith.addi %add3A_24, %add3A_83 : i32
        %dma_start3A_85 = arith.constant 0 : i32
        %dma_start3A_86 = tpu.memref_slice %arg2[%add3A_84, %dma_start3A_85] : memref<416x100000xf32, #tpu.memory_space<hbm>> -> memref<1x50048xf32, #tpu.memory_space<hbm>>
        %dma_start3A_87 = tpu.memref_squeeze %dma_start3A_86 : memref<1x50048xf32, #tpu.memory_space<hbm>> -> memref<50048xf32, #tpu.memory_space<hbm>>
        %dma_start3A_88 = arith.constant 0 : i32
        %dma_start3A_89 = tpu.memref_slice %arg2[%add3A_84, %dma_start3A_88] : memref<416x100000xf32, #tpu.memory_space<hbm>> -> memref<1x50048xf32, #tpu.memory_space<hbm>>
        %dma_start3A_90 = tpu.memref_squeeze %dma_start3A_89 : memref<1x50048xf32, #tpu.memory_space<hbm>> -> memref<50048xf32, #tpu.memory_space<hbm>>
        tpu.enqueue_dma source(%dma_start3A_90 : memref<50048xf32, #tpu.memory_space<hbm>>) target(%arg5 : memref<50048xf32, #tpu.memory_space<vmem>>) target_semaphore(%arg9 : memref<!tpu.dma_semaphore, #tpu.memory_space<semaphore_mem>>)
      } else {
      }
      %parallel_loop3A_74 = arith.constant 0 : i32
      %parallel_loop3A_75 = arith.constant 512 : i32
      %parallel_loop3A_76 = arith.constant 1 : i32
      scf.for %parallel_loop3A_83 = %parallel_loop3A_74 to %parallel_loop3A_75 step %parallel_loop3A_76  : i32 {
        %parallel_loop3A_84 = arith.constant 32 : i32
        %parallel_loop3A_85 = arith.muli %parallel_loop3A_83, %parallel_loop3A_84 : i32
        %parallel_loop3A_86 = tpu.assume_multiple %parallel_loop3A_85, 32 : i32
        %parallel_loop3A_87 = arith.index_cast %parallel_loop3A_86 : i32 to index
        %parallel_loop3A_88 = tpu.vector_load %arg7[%parallel_loop3A_87] {strides = array<i32>} : memref<16384xi32, #tpu.memory_space<vmem>>, vector<16xi32>,
        %parallel_loop3A_89 = arith.constant 16 : i32
        %parallel_loop3A_90 = arith.addi %parallel_loop3A_86, %parallel_loop3A_89 : i32
        %parallel_loop3A_91 = arith.index_cast %parallel_loop3A_90 : i32 to index
        %parallel_loop3A_92 = tpu.vector_load %arg7[%parallel_loop3A_91] {strides = array<i32>} : memref<16384xi32, #tpu.memory_space<vmem>>, vector<16xi32>,
        %parallel_loop3A_93 = arith.constant 50048 : i32
        %parallel_loop3A_94 = vector.broadcast %parallel_loop3A_93 : i32 to vector<16xi32>
        %parallel_loop3A_95 = arith.cmpi sge, %parallel_loop3A_88, %parallel_loop3A_94 : vector<16xi32>
        %parallel_loop3A_96 = arith.constant 50048 : i32
        %parallel_loop3A_97 = vector.broadcast %parallel_loop3A_96 : i32 to vector<16xi32>
        %parallel_loop3A_98 = arith.cmpi sge, %parallel_loop3A_92, %parallel_loop3A_97 : vector<16xi32>
        %parallel_loop3A_99 = arith.constant 50048 : i32
        %parallel_loop3A_100 = vector.broadcast %parallel_loop3A_99 : i32 to vector<16xi32>
        %parallel_loop3A_101 = arith.subi %parallel_loop3A_88, %parallel_loop3A_100 : vector<16xi32>
        %parallel_loop3A_102 = arith.constant 0 : i32
        %parallel_loop3A_103 = vector.broadcast %parallel_loop3A_102 : i32 to vector<16xi32>
        %parallel_loop3A_104 = arith.maxsi %parallel_loop3A_101, %parallel_loop3A_103 : vector<16xi32>
        %parallel_loop3A_105 = tpu.vector_load_idx %arg6[%parallel_loop3A_104] masked %parallel_loop3A_95 : memref<49952xf32, #tpu.memory_space<vmem>>[vector<16xi32>], vector<16xf32>, vector<16xi1>
        %parallel_loop3A_106 = arith.constant 50048 : i32
        %parallel_loop3A_107 = vector.broadcast %parallel_loop3A_106 : i32 to vector<16xi32>
        %parallel_loop3A_108 = arith.subi %parallel_loop3A_92, %parallel_loop3A_107 : vector<16xi32>
        %parallel_loop3A_109 = arith.constant 0 : i32
        %parallel_loop3A_110 = vector.broadcast %parallel_loop3A_109 : i32 to vector<16xi32>
        %parallel_loop3A_111 = arith.maxsi %parallel_loop3A_108, %parallel_loop3A_110 : vector<16xi32>
        %parallel_loop3A_112 = tpu.vector_load_idx %arg6[%parallel_loop3A_111] masked %parallel_loop3A_98 : memref<49952xf32, #tpu.memory_space<vmem>>[vector<16xi32>], vector<16xf32>, vector<16xi1>
        %parallel_loop3A_113 = arith.constant 16 : i32
        %parallel_loop3A_114 = arith.muli %parallel_loop3A_83, %parallel_loop3A_113 : i32
        %parallel_loop3A_115 = tpu.assume_multiple %parallel_loop3A_114, 16 : i32
        %parallel_loop3A_116 = arith.index_cast %parallel_loop3A_115 : i32 to index
        %parallel_loop3A_117 = tpu.vector_load %arg8[%parallel_loop3A_116] {strides = array<i32>} : memref<8192xi32, #tpu.memory_space<vmem>>, vector<16xi32>,
        %parallel_loop3A_118 = vector.bitcast %parallel_loop3A_105 : vector<16xf32> to vector<16xi32>
        %parallel_loop3A_119 = arith.constant 16 : i32
        %parallel_loop3A_120 = vector.broadcast %parallel_loop3A_119 : i32 to vector<16xi32>
        %parallel_loop3A_121 = arith.shrui %parallel_loop3A_118, %parallel_loop3A_120 : vector<16xi32>
        %parallel_loop3A_122 = arith.constant 1 : i32
        %parallel_loop3A_123 = vector.broadcast %parallel_loop3A_122 : i32 to vector<16xi32>
        %parallel_loop3A_124 = arith.andi %parallel_loop3A_121, %parallel_loop3A_123 : vector<16xi32>
        %parallel_loop3A_125 = arith.constant 32767 : i32
        %parallel_loop3A_126 = vector.broadcast %parallel_loop3A_125 : i32 to vector<16xi32>
        %parallel_loop3A_127 = arith.addi %parallel_loop3A_118, %parallel_loop3A_126 : vector<16xi32>
        %parallel_loop3A_128 = arith.addi %parallel_loop3A_127, %parallel_loop3A_124 : vector<16xi32>
        %parallel_loop3A_129 = arith.constant 16 : i32
        %parallel_loop3A_130 = vector.broadcast %parallel_loop3A_129 : i32 to vector<16xi32>
        %parallel_loop3A_131 = arith.shrui %parallel_loop3A_128, %parallel_loop3A_130 : vector<16xi32>
        %parallel_loop3A_132 = arith.constant 65535 : i32
        %parallel_loop3A_133 = vector.broadcast %parallel_loop3A_132 : i32 to vector<16xi32>
        %parallel_loop3A_134 = arith.andi %parallel_loop3A_117, %parallel_loop3A_133 : vector<16xi32>
        %parallel_loop3A_135 = arith.select %parallel_loop3A_95, %parallel_loop3A_131, %parallel_loop3A_134 : vector<16xi1>, vector<16xi32>
        %parallel_loop3A_136 = vector.bitcast %parallel_loop3A_112 : vector<16xf32> to vector<16xi32>
        %parallel_loop3A_137 = arith.constant 16 : i32
        %parallel_loop3A_138 = vector.broadcast %parallel_loop3A_137 : i32 to vector<16xi32>
        %parallel_loop3A_139 = arith.shrui %parallel_loop3A_136, %parallel_loop3A_138 : vector<16xi32>
        %parallel_loop3A_140 = arith.constant 1 : i32
        %parallel_loop3A_141 = vector.broadcast %parallel_loop3A_140 : i32 to vector<16xi32>
        %parallel_loop3A_142 = arith.andi %parallel_loop3A_139, %parallel_loop3A_141 : vector<16xi32>
        %parallel_loop3A_143 = arith.constant 32767 : i32
        %parallel_loop3A_144 = vector.broadcast %parallel_loop3A_143 : i32 to vector<16xi32>
        %parallel_loop3A_145 = arith.addi %parallel_loop3A_136, %parallel_loop3A_144 : vector<16xi32>
        %parallel_loop3A_146 = arith.addi %parallel_loop3A_145, %parallel_loop3A_142 : vector<16xi32>
        %parallel_loop3A_147 = arith.constant 16 : i32
        %parallel_loop3A_148 = vector.broadcast %parallel_loop3A_147 : i32 to vector<16xi32>
        %parallel_loop3A_149 = arith.shrui %parallel_loop3A_146, %parallel_loop3A_148 : vector<16xi32>
        %parallel_loop3A_150 = arith.constant 16 : i32
        %parallel_loop3A_151 = vector.broadcast %parallel_loop3A_150 : i32 to vector<16xi32>
        %parallel_loop3A_152 = arith.shrui %parallel_loop3A_117, %parallel_loop3A_151 : vector<16xi32>
        %parallel_loop3A_153 = arith.select %parallel_loop3A_98, %parallel_loop3A_149, %parallel_loop3A_152 : vector<16xi1>, vector<16xi32>
        %parallel_loop3A_154 = arith.constant 16 : i32
        %parallel_loop3A_155 = vector.broadcast %parallel_loop3A_154 : i32 to vector<16xi32>
        %parallel_loop3A_156 = arith.shli %parallel_loop3A_153, %parallel_loop3A_155 : vector<16xi32>
        %parallel_loop3A_157 = arith.ori %parallel_loop3A_135, %parallel_loop3A_156 : vector<16xi32>
        %parallel_loop3A_158 = arith.constant 16 : i32
        %parallel_loop3A_159 = arith.muli %parallel_loop3A_83, %parallel_loop3A_158 : i32
        %parallel_loop3A_160 = tpu.assume_multiple %parallel_loop3A_159, 16 : i32
        %parallel_loop3A_161 = arith.index_cast %parallel_loop3A_160 : i32 to index
        %parallel_loop3A_162 = tpu.vector_load %arg8[%parallel_loop3A_161] {strides = array<i32>} : memref<8192xi32, #tpu.memory_space<vmem>>, vector<16xi32>,
        tpu.vector_store %arg8[%parallel_loop3A_161], %parallel_loop3A_157 {strides = array<i32>} : memref<8192xi32, #tpu.memory_space<vmem>>, vector<16xi32>,
      } {sc.loop_unroll_factor = 8 : i64, sc.parallel_access}
      %dma_start3A_77 = arith.constant 0 : i32
      %dma_start3A_78 = tpu.memref_slice %arg4[%add3A_24, %dma_start3A_77] : memref<416x8192xi32, #tpu.memory_space<hbm>> -> memref<1x8192xi32, #tpu.memory_space<hbm>>
      %dma_start3A_79 = tpu.memref_squeeze %dma_start3A_78 : memref<1x8192xi32, #tpu.memory_space<hbm>> -> memref<8192xi32, #tpu.memory_space<hbm>>
      %dma_start3A_80 = arith.constant 0 : i32
      %dma_start3A_81 = tpu.memref_slice %arg4[%add3A_24, %dma_start3A_80] : memref<416x8192xi32, #tpu.memory_space<hbm>> -> memref<1x8192xi32, #tpu.memory_space<hbm>>
      %dma_start3A_82 = tpu.memref_squeeze %dma_start3A_81 : memref<1x8192xi32, #tpu.memory_space<hbm>> -> memref<8192xi32, #tpu.memory_space<hbm>>
      tpu.enqueue_dma source(%arg8 : memref<8192xi32, #tpu.memory_space<vmem>>) target(%dma_start3A_82 : memref<8192xi32, #tpu.memory_space<hbm>>) target_semaphore(%arg11 : memref<!tpu.dma_semaphore, #tpu.memory_space<semaphore_mem>>)
      scf.yield %select_n3A : i32
    }
    %scan3A_13 = arith.constant 13 : i32
    %add3A_14 = arith.constant 13 : i32
    %add3A_15 = arith.addi %mul3A_2, %add3A_14 : i32
    %sub3A = arith.constant 1 : i32
    %sub3A_16 = arith.subi %add3A_15, %sub3A : i32
    %dma_wait3A = arith.constant 0 : i32
    %dma_wait3A_17 = tpu.memref_slice %arg4[%sub3A_16, %dma_wait3A] : memref<416x8192xi32, #tpu.memory_space<hbm>> -> memref<1x8192xi32, #tpu.memory_space<hbm>>
    %dma_wait3A_18 = tpu.memref_squeeze %dma_wait3A_17 : memref<1x8192xi32, #tpu.memory_space<hbm>> -> memref<8192xi32, #tpu.memory_space<hbm>>
    %dma_wait3A_19 = arith.constant 0 : i32
    %dma_wait3A_20 = tpu.memref_slice %arg4[%sub3A_16, %dma_wait3A_19] : memref<416x8192xi32, #tpu.memory_space<hbm>> -> memref<1x8192xi32, #tpu.memory_space<hbm>>
    %dma_wait3A_21 = tpu.memref_squeeze %dma_wait3A_20 : memref<1x8192xi32, #tpu.memory_space<hbm>> -> memref<8192xi32, #tpu.memory_space<hbm>>
    tpu.wait_dma2 semaphore(%arg11 : memref<!tpu.dma_semaphore, #tpu.memory_space<semaphore_mem>>) src(%arg8 : memref<8192xi32, #tpu.memory_space<vmem>>) dst(%dma_wait3A_21 : memref<8192xi32, #tpu.memory_space<hbm>>)
    return
  }
}

module attributes {stable_mosaic.version = 14 : i64} {
  func.func @_mlp_body(%arg0: i32, %arg1: memref<13x16384xf32, #tpu.memory_space<vmem>>, %arg2: memref<416x512xi32, #tpu.memory_space<vmem>>, %arg3: memref<13x1024xf32, #tpu.memory_space<vmem>>, %arg4: memref<512x416xbf16, #tpu.memory_space<vmem>>, %arg5: memref<512x13xf32, #tpu.memory_space<vmem>>, %arg6: memref<512x1xf32, #tpu.memory_space<vmem>>, %arg7: memref<256x512xf32, #tpu.memory_space<vmem>>, %arg8: memref<256x1xf32, #tpu.memory_space<vmem>>, %arg9: memref<256x1xf32, #tpu.memory_space<vmem>>, %arg10: memref<1x1xf32, #tpu.memory_space<vmem>>, %arg11: memref<1x1024xf32, #tpu.memory_space<vmem>>, %arg12: memref<13x128xf32, #tpu.memory_space<vmem>>) attributes {dimension_semantics = [#tpu.dimension_semantics<arbitrary>], iteration_bounds = array<i64: 16>, scalar_prefetch = 0 : i64, scratch_operands = 1 : i64, tpu.core_type = #tpu.core_type<tc>, window_params = [{pipeline_mode = #tpu.pipeline_mode<synchronous>, transform_indices = @transform_0, window_bounds = array<i64: 13, 16384>}, {transform_indices = @transform_1, window_bounds = array<i64: 416, 512>}, {transform_indices = @transform_2, window_bounds = array<i64: 13, 1024>}, {pipeline_mode = #tpu.pipeline_mode<synchronous>, transform_indices = @transform_3, window_bounds = array<i64: 512, 416>}, {pipeline_mode = #tpu.pipeline_mode<synchronous>, transform_indices = @transform_4, window_bounds = array<i64: 512, 13>}, {pipeline_mode = #tpu.pipeline_mode<synchronous>, transform_indices = @transform_5, window_bounds = array<i64: 512, 1>}, {pipeline_mode = #tpu.pipeline_mode<synchronous>, transform_indices = @transform_6, window_bounds = array<i64: 256, 512>}, {pipeline_mode = #tpu.pipeline_mode<synchronous>, transform_indices = @transform_7, window_bounds = array<i64: 256, 1>}, {pipeline_mode = #tpu.pipeline_mode<synchronous>, transform_indices = @transform_8, window_bounds = array<i64: 256, 1>}, {pipeline_mode = #tpu.pipeline_mode<synchronous>, transform_indices = @transform_9, window_bounds = array<i64: 1, 1>}, {transform_indices = @transform_10, window_bounds = array<i64: 1, 1024>}]} {
    %eq3A = arith.constant 0 : i32
    %eq3A_0 = arith.cmpi eq, %arg0, %eq3A : i32
    %convert_element_type3A = arith.extui %eq3A_0 : i1 to i32
    %cond3A = arith.constant 0 : i32
    %cond3A_1 = arith.cmpi ne, %convert_element_type3A, %cond3A : i32
    scf.if %cond3A_1 {
      %get3A_63 = arith.constant 0 : index
      %get3A_64 = arith.constant 0 : index
      %get3A_65 = vector.load %arg1[%get3A_63, %get3A_64] : memref<13x16384xf32, #tpu.memory_space<vmem>>, vector<13x16384xf32>
      %reduce_sum3A_66 = arith.constant dense<0.000000e+00> : vector<13xf32>
      %reduce_sum3A_67 = vector.multi_reduction <add>, %get3A_65, %reduce_sum3A_66 [1] : vector<13x16384xf32> to vector<13xf32>
      %broadcast_in_dim3A_68 = vector.shape_cast %reduce_sum3A_67 : vector<13xf32> to vector<13x1xf32>
      %div3A = arith.constant 1.638400e+04 : f32
      %div3A_69 = vector.broadcast %div3A : f32 to vector<13x1xf32>
      %div3A_70 = arith.divf %broadcast_in_dim3A_68, %div3A_69 : vector<13x1xf32>
      %mul3A_71 = arith.mulf %get3A_65, %get3A_65 : vector<13x16384xf32>
      %reduce_sum3A_72 = arith.constant dense<0.000000e+00> : vector<13xf32>
      %reduce_sum3A_73 = vector.multi_reduction <add>, %mul3A_71, %reduce_sum3A_72 [1] : vector<13x16384xf32> to vector<13xf32>
      %broadcast_in_dim3A_74 = vector.shape_cast %reduce_sum3A_73 : vector<13xf32> to vector<13x1xf32>
      %div3A_75 = arith.constant 1.638400e+04 : f32
      %div3A_76 = vector.broadcast %div3A_75 : f32 to vector<13x1xf32>
      %div3A_77 = arith.divf %broadcast_in_dim3A_74, %div3A_76 : vector<13x1xf32>
      %mul3A_78 = arith.mulf %div3A_70, %div3A_70 : vector<13x1xf32>
      %sub3A_79 = arith.subf %div3A_77, %mul3A_78 : vector<13x1xf32>
      %swap3A_80 = arith.constant 0 : index
      %swap3A_81 = arith.constant 0 : index
      %swap3A_82 = vector.load %arg12[%swap3A_80, %swap3A_81] : memref<13x128xf32, #tpu.memory_space<vmem>>, vector<13x1xf32>
      tpu.vector_store %arg12[%swap3A_80, %swap3A_81], %div3A_70 {strides = array<i32>} : memref<13x128xf32, #tpu.memory_space<vmem>>, vector<13x1xf32>,
      %add3A_83 = arith.constant 9.99999974E-6 : f32
      %add3A_84 = vector.broadcast %add3A_83 : f32 to vector<13x1xf32>
      %add3A_85 = arith.addf %sub3A_79, %add3A_84 : vector<13x1xf32>
      %rsqrt3A = math.rsqrt %add3A_85 : vector<13x1xf32>
      %swap3A_86 = arith.constant 0 : index
      %swap3A_87 = arith.constant 1 : index
      %swap3A_88 = vector.load %arg12[%swap3A_86, %swap3A_87] : memref<13x128xf32, #tpu.memory_space<vmem>>, vector<13x1xf32>
      tpu.vector_store %arg12[%swap3A_86, %swap3A_87], %rsqrt3A {strides = array<i32>} : memref<13x128xf32, #tpu.memory_space<vmem>>, vector<13x1xf32>,
    } else {
    }
    %get3A = arith.constant 0 : index
    %get3A_2 = arith.constant 0 : index
    %get3A_3 = vector.load %arg12[%get3A, %get3A_2] : memref<13x128xf32, #tpu.memory_space<vmem>>, vector<13x1xf32>
    %get3A_4 = arith.constant 0 : index
    %get3A_5 = arith.constant 1 : index
    %get3A_6 = vector.load %arg12[%get3A_4, %get3A_5] : memref<13x128xf32, #tpu.memory_space<vmem>>, vector<13x1xf32>
    %get3A_7 = arith.constant 0 : index
    %get3A_8 = arith.constant 0 : index
    %get3A_9 = vector.load %arg3[%get3A_7, %get3A_8] : memref<13x1024xf32, #tpu.memory_space<vmem>>, vector<13x1024xf32>
    %sub3A = vector.broadcast %get3A_3 : vector<13x1xf32> to vector<13x1024xf32>
    %sub3A_10 = arith.subf %get3A_9, %sub3A : vector<13x1024xf32>
    %mul3A = vector.broadcast %get3A_6 : vector<13x1xf32> to vector<13x1024xf32>
    %mul3A_11 = arith.mulf %sub3A_10, %mul3A : vector<13x1024xf32>
    %get3A_12 = arith.constant 0 : index
    %get3A_13 = arith.constant 0 : index
    %get3A_14 = vector.load %arg2[%get3A_12, %get3A_13] : memref<416x512xi32, #tpu.memory_space<vmem>>, vector<416x512xi32>
    %shift_left3A = arith.constant 16 : i32
    %shift_left3A_15 = vector.broadcast %shift_left3A : i32 to vector<416x512xi32>
    %shift_left3A_16 = arith.shli %get3A_14, %shift_left3A_15 : vector<416x512xi32>
    %bitcast_convert_type3A = tpu.bitcast %shift_left3A_16 : vector<416x512xi32> -> vector<416x512xf32>
    %and3A = arith.constant -65536 : i32
    %and3A_17 = vector.broadcast %and3A : i32 to vector<416x512xi32>
    %and3A_18 = arith.andi %get3A_14, %and3A_17 : vector<416x512xi32>
    %bitcast_convert_type3A_19 = tpu.bitcast %and3A_18 : vector<416x512xi32> -> vector<416x512xf32>
    %concatenate3A = tpu.concatenate %bitcast_convert_type3A, %bitcast_convert_type3A_19 in 1 : vector<416x512xf32>, vector<416x512xf32> -> vector<416x1024xf32>
    %convert_element_type3A_20 = arith.truncf %concatenate3A : vector<416x1024xf32> to vector<416x1024xbf16>
    %get3A_21 = arith.constant 0 : index
    %get3A_22 = arith.constant 0 : index
    %get3A_23 = vector.load %arg4[%get3A_21, %get3A_22] : memref<512x416xbf16, #tpu.memory_space<vmem>>, vector<512x416xbf16>
    %dot_general3A = arith.constant dense<0.000000e+00> : vector<512x1024xf32>
    %dot_general3A_24 = tpu.matmul %get3A_23, %convert_element_type3A_20, %dot_general3A {dimension_numbers = #tpu.dot_dimension_numbers<[1], [0], [0], [1], [0, 0, 1, 1], [], []>, transpose_lhs_hint = false} : vector<512x416xbf16>, vector<416x1024xbf16>, vector<512x1024xf32> -> vector<512x1024xf32>
    %get3A_25 = arith.constant 0 : index
    %get3A_26 = arith.constant 0 : index
    %get3A_27 = vector.load %arg5[%get3A_25, %get3A_26] : memref<512x13xf32, #tpu.memory_space<vmem>>, vector<512x13xf32>
    %dot_general3A_28 = arith.constant dense<0.000000e+00> : vector<512x1024xf32>
    %dot_general3A_29 = tpu.matmul %get3A_27, %mul3A_11, %dot_general3A_28 {dimension_numbers = #tpu.dot_dimension_numbers<[1], [0], [0], [1], [0, 0, 1, 1], [], []>, transpose_lhs_hint = false} : vector<512x13xf32>, vector<13x1024xf32>, vector<512x1024xf32> -> vector<512x1024xf32>
    %add3A = arith.addf %dot_general3A_24, %dot_general3A_29 : vector<512x1024xf32>
    %get3A_30 = arith.constant 0 : index
    %get3A_31 = arith.constant 0 : index
    %get3A_32 = vector.load %arg6[%get3A_30, %get3A_31] : memref<512x1xf32, #tpu.memory_space<vmem>>, vector<512x1xf32>
    %add3A_33 = vector.broadcast %get3A_32 : vector<512x1xf32> to vector<512x1024xf32>
    %add3A_34 = arith.addf %add3A, %add3A_33 : vector<512x1024xf32>
    %max3A = arith.constant 0.000000e+00 : f32
    %max3A_35 = vector.broadcast %max3A : f32 to vector<512x1024xf32>
    %max3A_36 = arith.maximumf %add3A_34, %max3A_35 : vector<512x1024xf32>
    %get3A_37 = arith.constant 0 : index
    %get3A_38 = arith.constant 0 : index
    %get3A_39 = vector.load %arg7[%get3A_37, %get3A_38] : memref<256x512xf32, #tpu.memory_space<vmem>>, vector<256x512xf32>
    %dot_general3A_40 = arith.constant dense<0.000000e+00> : vector<256x1024xf32>
    %dot_general3A_41 = tpu.matmul %get3A_39, %max3A_36, %dot_general3A_40 {dimension_numbers = #tpu.dot_dimension_numbers<[1], [0], [0], [1], [0, 0, 1, 1], [], []>, transpose_lhs_hint = false} : vector<256x512xf32>, vector<512x1024xf32>, vector<256x1024xf32> -> vector<256x1024xf32>
    %get3A_42 = arith.constant 0 : index
    %get3A_43 = arith.constant 0 : index
    %get3A_44 = vector.load %arg8[%get3A_42, %get3A_43] : memref<256x1xf32, #tpu.memory_space<vmem>>, vector<256x1xf32>
    %add3A_45 = vector.broadcast %get3A_44 : vector<256x1xf32> to vector<256x1024xf32>
    %add3A_46 = arith.addf %dot_general3A_41, %add3A_45 : vector<256x1024xf32>
    %max3A_47 = arith.constant 0.000000e+00 : f32
    %max3A_48 = vector.broadcast %max3A_47 : f32 to vector<256x1024xf32>
    %max3A_49 = arith.maximumf %add3A_46, %max3A_48 : vector<256x1024xf32>
    %get3A_50 = arith.constant 0 : index
    %get3A_51 = arith.constant 0 : index
    %get3A_52 = vector.load %arg9[%get3A_50, %get3A_51] : memref<256x1xf32, #tpu.memory_space<vmem>>, vector<256x1xf32>
    %mul3A_53 = vector.broadcast %get3A_52 : vector<256x1xf32> to vector<256x1024xf32>
    %mul3A_54 = arith.mulf %max3A_49, %mul3A_53 : vector<256x1024xf32>
    %reduce_sum3A = arith.constant dense<0.000000e+00> : vector<1024xf32>
    %reduce_sum3A_55 = vector.multi_reduction <add>, %mul3A_54, %reduce_sum3A [0] : vector<256x1024xf32> to vector<1024xf32>
    %broadcast_in_dim3A = vector.shape_cast %reduce_sum3A_55 : vector<1024xf32> to vector<1x1024xf32>
    %get3A_56 = arith.constant 0 : index
    %get3A_57 = arith.constant 0 : index
    %get3A_58 = vector.load %arg10[%get3A_56, %get3A_57] : memref<1x1xf32, #tpu.memory_space<vmem>>, vector<1x1xf32>
    %add3A_59 = vector.broadcast %get3A_58 : vector<1x1xf32> to vector<1x1024xf32>
    %add3A_60 = arith.addf %broadcast_in_dim3A, %add3A_59 : vector<1x1024xf32>
    %swap3A = arith.constant 0 : index
    %swap3A_61 = arith.constant 0 : index
    %swap3A_62 = vector.load %arg11[%swap3A, %swap3A_61] : memref<1x1024xf32, #tpu.memory_space<vmem>>, vector<1x1024xf32>
    tpu.vector_store %arg11[%swap3A, %swap3A_61], %add3A_60 {strides = array<i32>} : memref<1x1024xf32, #tpu.memory_space<vmem>>, vector<1x1024xf32>,
    return
  }
  func.func @transform_0(%arg0: i32) -> (i32, i32) {
    %c0_i32 = arith.constant 0 : i32
    %c0_i32_0 = arith.constant 0 : i32
    %c0_i32_1 = arith.constant 0 : i32
    return %c0_i32, %c0_i32_0 : i32, i32
  }
  func.func @transform_1(%arg0: i32) -> (i32, i32) {
    %c0_i32 = arith.constant 0 : i32
    %c0_i32_0 = arith.constant 0 : i32
    return %c0_i32, %arg0 : i32, i32
  }
  func.func @transform_2(%arg0: i32) -> (i32, i32) {
    %c0_i32 = arith.constant 0 : i32
    %c0_i32_0 = arith.constant 0 : i32
    return %c0_i32, %arg0 : i32, i32
  }
  func.func @transform_3(%arg0: i32) -> (i32, i32) {
    %c0_i32 = arith.constant 0 : i32
    %c0_i32_0 = arith.constant 0 : i32
    %c0_i32_1 = arith.constant 0 : i32
    return %c0_i32, %c0_i32_0 : i32, i32
  }
  func.func @transform_4(%arg0: i32) -> (i32, i32) {
    %c0_i32 = arith.constant 0 : i32
    %c0_i32_0 = arith.constant 0 : i32
    %c0_i32_1 = arith.constant 0 : i32
    return %c0_i32, %c0_i32_0 : i32, i32
  }
  func.func @transform_5(%arg0: i32) -> (i32, i32) {
    %c0_i32 = arith.constant 0 : i32
    %c0_i32_0 = arith.constant 0 : i32
    %c0_i32_1 = arith.constant 0 : i32
    return %c0_i32, %c0_i32_0 : i32, i32
  }
  func.func @transform_6(%arg0: i32) -> (i32, i32) {
    %c0_i32 = arith.constant 0 : i32
    %c0_i32_0 = arith.constant 0 : i32
    %c0_i32_1 = arith.constant 0 : i32
    return %c0_i32, %c0_i32_0 : i32, i32
  }
  func.func @transform_7(%arg0: i32) -> (i32, i32) {
    %c0_i32 = arith.constant 0 : i32
    %c0_i32_0 = arith.constant 0 : i32
    %c0_i32_1 = arith.constant 0 : i32
    return %c0_i32, %c0_i32_0 : i32, i32
  }
  func.func @transform_8(%arg0: i32) -> (i32, i32) {
    %c0_i32 = arith.constant 0 : i32
    %c0_i32_0 = arith.constant 0 : i32
    %c0_i32_1 = arith.constant 0 : i32
    return %c0_i32, %c0_i32_0 : i32, i32
  }
  func.func @transform_9(%arg0: i32) -> (i32, i32) {
    %c0_i32 = arith.constant 0 : i32
    %c0_i32_0 = arith.constant 0 : i32
    %c0_i32_1 = arith.constant 0 : i32
    return %c0_i32, %c0_i32_0 : i32, i32
  }
  func.func @transform_10(%arg0: i32) -> (i32, i32) {
    %c0_i32 = arith.constant 0 : i32
    %c0_i32_0 = arith.constant 0 : i32
    return %c0_i32, %arg0 : i32, i32
  }
}

</mosaic_0001>

<sc_bundles>
// kernel: kernel.4.cloned.1.call-start
scs
__scs_entry_jumppad:
0x0: {  	(pc) =	sbr.rel $0x88, $3  }
0x1: {  	(tag) =	ssettag $0x0;
	lr =	simm.s32 $0x1  }
0x2: {  	[smem:$0x3F96] =	sst lr;
	_ =	strace $0xD0000000  }
0x3: {  	_ = 	snop  }
0x4: {  	_ = 	snop  }
0x5: {  	_ = 	snop  }
0x6: {  	_ = 	snop  }
0x7: {  	_ = 	snop  }
__scs_overlays_trampoline_lowered:
0x8: {  	[smem:$0x3FA5] =	sst s0  }
0x9: {  	[smem:$0x3FA6] =	sst s1  }
0xa: {  	[smem:$0x3FA7] =	sst s2  }
0xb: {  	[smem:$0x3FA8] =	sst s3  }
0xc: {  	[smem:$0x3FA9] =	sst s4  }
0xd: {  	[smem:$0x3FAA] =	sst s5  }
0xe: {  	[smem:$0x3FAB] =	sst s6  }
0xf: {  	[smem:$0x3FAC] =	sst s7  }
0x10: {  	[smem:$0x3FAD] =	sst s8  }
0x11: {  	[smem:$0x3FAE] =	sst s9;
	s0 =	simm.s32 @!p0 $0x0  }
0x12: {  	s1 =	sld [smem:$0x3F94];
	s0 =	simm.s32 @p0 $0x1  }
0x13: {  	[smem:$0x3FAF] =	sst s0;
	s0 =	simm.s32 @!p1 $0x0  }
0x14: {  	s2 =	sld [smem:$0x3F93];
	s0 =	simm.s32 @p1 $0x1  }
0x15: {  	[smem:$0x3FB0] =	sst s0;
	s0 =	simm.s32 @!p2 $0x0  }
0x16: {  	s3 =	sld [smem:$0x3FDB];
	s0 =	simm.s32 @p2 $0x1  }
0x17: {  	s4 =	simm.s32 $0x1BF5;
	[smem:$0x3FB2] =	sst s0  }
0x18: {  	s0 =	sld [smem:$0x3F95];
	_ =	swait.ge [sflag:s4], $0x0  }
0x19: {  	s7 =	sld [smem:$0x3F96]  }
0x1a: {  	s8 =	sadd.s32 $0xFFFFE003, lr  }
0x1b: {  	s9 =	sadd.s32 $0xFFFFFEF7, lr;
	s5 =	simm.s32 $0xFFFFFFFF;
	p2 =	slt.u32 s8, $0xFFFFF086  }
0x1c: {  	p1 =	slt.u32 s9, $0xF7A;
	s5 =	simm.s32 @!p2 $0x0  }
0x1d: {  	s5 =	simm.s32 @p1 $0x1;
	p0 =	seq.s32 s7, s2  }
0x1e: {  	s7 =	smul.u32 @!p0 $0xF7A, s2;
	p2 =	seq.s32 @!p0 s5, $0x0  }
0x1f: {  	s9 =	smul.u32 $0xF7A, s1;
	s8 =	simm.s32 @!p0 $0x1BF5;
	p2 =	por !p2, p0  }
0x20: {  	[sflag:s8] =	ssyncset.s32 @!p0 $0xFFFFF086;
	s6 =	sadd.s32 @!p0 s3, s7;
	s7 =	simm.s32 @!p0 $0x108  }
0x21: {  	s3 =	sadd.s32 s3, s9;
	s6 =	sadd.s32 @!p0 $0x88, s6;
	s7 =	simm.s32 @p2 $0x1082  }
0x22: {  	[simem:s7], [sflag:s8] =	dma.local @!p0 [hbm:s6], $0xF7A  }
0x23: {  	s9 =	sor.u32 $0xD0000000, s2;
	s6 =	simm.s32 $0x108;
	_ =	swait.ge @!p0 [sflag:s8], $0x0  }
0x24: {  	s3 =	sadd.s32 $0x88, s3;
	s6 =	simm.s32 @!p1 $0x1082;
	[sflag:s4] =	ssyncset.s32 $0xFFFFF086  }
0x25: {  	[simem:s6], [sflag:s4] =	dma.local [hbm:s3], $0xF7A  }
0x26: {  	[smem:$0x3F96] =	sst s1;
	(tag) =	ssettag s2;
	_ =	strace s9  }
0x27: {  	s1 =	sld [smem:$0x3FA6]  }
0x28: {  	s2 =	sld [smem:$0x3FA7]  }
0x29: {  	s4 =	sld [smem:$0x3FA9]  }
0x2a: {  	p0 =	seq.s32 s5, $0x0;
	s5 =	sld [smem:$0x3FAA]  }
0x2b: {  	s6 =	sld [smem:$0x3FAB]  }
0x2c: {  	s7 =	sld [smem:$0x3FAC]  }
0x2d: {  	s3 =	simm.s32 $0x108;
	s8 =	sld [smem:$0x3FAD]  }
0x2e: {  	s3 =	simm.s32 @!p0 $0x1082;
	s9 =	sld [smem:$0x3FAE]  }
0x2f: {  	lr =	sadd.s32 s0, s3;
	s0 =	sld [smem:$0x3FA5]  }
0x30: {  	s3 =	sld [smem:$0x3FA8]  }
0x31: {  	[smem:$0x3FB1] =	sst s10  }
0x32: {  	s10 =	sld [smem:$0x3FAF];
	_ =	sdelay $0x3  }
0x33: {  	p0 =	seq.s32 s10, $0x1;
	s10 =	sld [smem:$0x3FB1];
	_ =	sdelay $0x3  }
0x34: {  	[smem:$0x3FB1] =	sst s10  }
0x35: {  	s10 =	sld [smem:$0x3FB0];
	_ =	sdelay $0x3  }
0x36: {  	p1 =	seq.s32 s10, $0x1;
	s10 =	sld [smem:$0x3FB1];
	_ =	sdelay $0x3  }
0x37: {  	[smem:$0x3FB1] =	sst s10  }
0x38: {  	s10 =	sld [smem:$0x3FB2]  }
0x39: {  	_ = 	snop;
	(pc) =	sbr.ind lr, $3  }
0x3a: {  	_ = 	snop  }
0x3b: {  	_ = 	snop  }
0x3c: {  	p2 =	seq.s32 s10, $0x1;
	s10 =	sld [smem:$0x3FB1]  }
0x3d: {  	_ =	shalt  }
0x3e: {  	_ =	shalt  }
0x3f: {  	_ =	shalt  }
0x40: {  	_ =	shalt  }
0x41: {  	_ =	shalt  }
0x42: {  	_ =	shalt  }
0x43: {  	_ =	shalt  }
0x44: {  	_ =	shalt  }
0x45: {  	_ =	shalt  }
0x46: {  	_ =	shalt  }
0x47: {  	_ =	shalt  }
0x48: {  	_ =	shalt  }
0x49: {  	_ =	shalt  }
0x4a: {  	_ =	shalt  }
0x4b: {  	_ =	shalt  }
0x4c: {  	_ =	shalt  }
0x4d: {  	_ =	shalt  }
0x4e: {  	_ =	shalt  }
0x4f: {  	_ =	shalt  }
0x50: {  	_ =	shalt  }
0x51: {  	_ =	shalt  }
0x52: {  	_ =	shalt  }
0x53: {  	_ =	shalt  }
0x54: {  	_ =	shalt  }
0x55: {  	_ =	shalt  }
0x56: {  	_ =	shalt  }
0x57: {  	_ =	shalt  }
0x58: {  	_ =	shalt  }
0x59: {  	_ =	shalt  }
0x5a: {  	_ =	shalt  }
0x5b: {  	_ =	shalt  }
0x5c: {  	_ =	shalt  }
0x5d: {  	_ =	shalt  }
0x5e: {  	_ =	shalt  }
0x5f: {  	_ =	shalt  }
0x60: {  	_ =	shalt  }
0x61: {  	_ =	shalt  }
0x62: {  	_ =	shalt  }
0x63: {  	_ =	shalt  }
0x64: {  	_ =	shalt  }
0x65: {  	_ =	shalt  }
0x66: {  	_ =	shalt  }
0x67: {  	_ =	shalt  }
0x68: {  	_ =	shalt  }
0x69: {  	_ =	shalt  }
0x6a: {  	_ =	shalt  }
0x6b: {  	_ =	shalt  }
0x6c: {  	_ =	shalt  }
0x6d: {  	_ =	shalt  }
0x6e: {  	_ =	shalt  }
0x6f: {  	_ =	shalt  }
0x70: {  	_ =	shalt  }
0x71: {  	_ =	shalt  }
0x72: {  	_ =	shalt  }
0x73: {  	_ =	shalt  }
0x74: {  	_ =	shalt  }
0x75: {  	_ =	shalt  }
0x76: {  	_ =	shalt  }
0x77: {  	_ =	shalt  }
0x78: {  	_ =	shalt  }
0x79: {  	_ =	shalt  }
0x7a: {  	_ =	shalt  }
0x7b: {  	_ =	shalt  }
0x7c: {  	_ =	shalt  }
0x7d: {  	_ =	shalt  }
0x7e: {  	_ =	shalt  }
0x7f: {  	_ =	shalt  }
0x80: {  	_ =	shalt  }
0x81: {  	_ =	shalt  }
0x82: {  	_ =	shalt  }
0x83: {  	_ =	shalt  }
0x84: {  	_ =	shalt  }
0x85: {  	_ =	shalt  }
0x86: {  	_ =	shalt  }
0x87: {  	_ =	shalt  }
.Lfunc_end0:
.L_simem_size_0:
called_computation_lowered:
.L_overlay_start_0:
0x88: {  	s2 =	sld [smem:$0x3FD9]  }
0x89: {  	s3 =	sld [smem:$0x3FFE];
	_ =	sdelay $0x1  }
0x8a: {  	s1 =	srdreg.scid  }
0x8b: {  	s0 =	sand.u32 $0x1, s1  }
0x8c: {  	s17 =	sshll.u32 s0, $0xA;
	s2 =	sadd.s32 s3, s2  }
0x8d: {  	s2 =	sadd.s32 s2, s17  }
0x8e: {  	[smem:$0x3FBD] =	sst s2  }
0x8f: {  	_ = 	snop  }
0x90: {  	s2 =	sld [smem:$0x3FC9]  }
0x91: {  	s18 =	sld [smem:$0x3FC7];
	(tm) =	ssettm $0x1  }
0x92: {  	s4 =	sld [smem:$0x3FFB];
	_ =	sdelay $0x3  }
0x93: {  	_ =	strace s4  }
0x94: {  	s4 =	sld [smem:$0x3FFC];
	_ =	sdelay $0x3  }
0x95: {  	_ =	strace s4  }
0x96: {  	s4 =	sld [smem:$0x3FFD];
	_ =	sdelay $0x3  }
0x97: {  	_ =	strace s4  }
0x98: {  	_ =	strace $0x8FFFFFFF  }
0x99: {  	s19 =	sld [smem:$0x3FDB];
	_ =	sdelay $0x1  }
0x9a: {  	s5 =	simm.s32 $_scs_section_size  }
0x9b: {  	s6 =	simm.s32 $_size__tile_overlayer_lowered;
	s7 =	simm.s32 $_tile_overlayer_lowered  }
0x9c: {  	s22 =	simm.s32 $0x1BFF;
	s21 =	sshll.u32 s7, $0x1;
	s4 =	sadd.s32 s5, s19  }
0x9d: {  	s8 =	simm.s32 $0x0;
	s20 =	sshll.u32 s6, $0x1;
	s6 =	sadd.s32 s21, s4  }
0x9e: {  	[timem:s8], [sflag:s22] =	dma.local [hbm:s6], s20  }
0x9f: {  	_ =	swait.ge [sflag:s22], s20  }
0xa0: {  	s5 =	ssub.s32 $0x0, s20;
	[sflag:s22] =	ssyncset.done $0x0  }
0xa1: {  	[sflag:s22] =	ssyncadd.s32 s5;
	_ =	sdelay $0x1  }
0xa2: {  	s23 =	simm.s32 $0x1B8B  }
0xa3: {  	_ =	swait.ge [sflag:s23], $0x1  }
0xa4: {  	[sflag:s23] =	ssyncset.done $0x0  }
0xa5: {  	s25 =	simm.s32 $0x1B8E;
	s24 =	sld [smem:$0x3FFE];
	[sflag:s23] =	ssyncadd.s32 $0xFFFFFFFF  }
0xa6: {  	s26 =	simm.s32 $execute0_lowered;
	[smem:$0x3FD2] =	sst s25  }
0xa7: {  	s6 =	sshll.u32 s26, $0x1;
	_ =	strace $0x80000046;
	[dreg:$0x1] =	wrdreg $0xFFFFFFFF  }
0xa8: {  	s28 =	simm.s32 $_size_execute0_lowered;
	s4 =	sadd.s32 s4, s6;
	[dreg:$0x0] =	wrdreg $0x0  }
0xa9: {  	s6 =	sshll.u32 s28, $0x1;
	[dreg:$0x2] =	wrdreg s4  }
0xaa: {  	[dreg:$0x3] =	wrdreg s6  }
0xab: {  	[dreg:$0x4] =	wrdreg $0xC0  }
0xac: {  	_ =	task [dreg:s8], $0x5FFFF  }
0xad: {  	[dreg:$0x1] =	wrdreg $0xFFFFFFFF  }
0xae: {  	[dreg:$0x0] =	wrdreg $0x60  }
0xaf: {  	[dreg:$0x2] =	wrdreg s18  }
0xb0: {  	[dreg:$0x3] =	wrdreg s2  }
0xb1: {  	[dreg:$0x4] =	wrdreg s24  }
0xb2: {  	[dreg:$0x5] =	wrdreg $0x9  }
0xb3: {  	_ =	task.clear_ibuf [dreg:s8], $0x6FFFF;
	_ =	strace $0x90000046  }
0xb4: {  	s29 =	simm.s32 $0x9;
	_ =	strace $0x80000048  }
0xb5: {  	_ =	swait.ge [sflag:s29], $0x1  }
0xb6: {  	[sflag:s29] =	ssyncadd.s32 $0xFFFFFFFF  }
0xb7: {  	_ =	strace $0x90000048  }
0xb8: {  	_ =	sfence  }
0xb9: {  	s30 =	sld [smem:$0x0];
	_ =	sdelay $0x2  }
0xba: {  	s31 =	sshll.u32 s1, $0xD;
	s1 =	sshrl.u32 s1, $0x2  }
0xbb: {  	s3 =	sand.u32 $0x4000, s31;
	s1 =	sadd.s32 s1, s30  }
0xbc: {  	s0 =	sor.u32 s3, s0;
	s1 =	sshll.u32 s1, $0x11  }
0xbd: {  	s0 =	sor.u32 s1, s0  }
0xbe: {  	s0 =	sadd.s32 $0x8F2B, s0  }
0xbf: {  	[sflag:s0] =	ssyncadd.remote.s32 $0x1  }
0xc0: {  	_ =	sfence.sel $0xFFFF  }
0xc1: {  	[dreg:$0x0] =	wrdreg $0xFFFFFFFF;
	(pc) =	sbr.abs _section_cstart, $3  }
0xc2: {  	[dreg:$0x1] =	wrdreg $0xFFFFFFFF  }
0xc3: {  	_ =	task.clear_ibuf [dreg:s8], $0x2FFFF;
	_ =	strace $0x9FFFFFFF  }
0xc4: {  	(tm) =	ssettm $0x7FFFFFFF  }
0xc5: {  	_ =	shalt  }
tec
execute0_lowered:
.L_overlay_start_1:
0x0: {  	(tag) =	ssettag $0x1  }
0x1: {  	s1 =	srdreg.scid  }
0x2: {  	s0 =	stileid.u32;
	s3 =	rddreg [dreg:$0x0]  }
0x3: {  	s4 =	rddreg [dreg:$0x1];
	s6 =	sand.u32 $0x1, s1;
	s28 =	sshll.u32 s0, $0x1  }
0x4: {  	s8 =	rddreg [dreg:$0x2];
	s11 =	simm.s32 $0x1;
	s2 =	sor.u32 s6, s28  }
0x5: {  	s12 =	simm.s32 $0xC380;
	s13 =	simm.s32 $0x2;
	s1 =	smul.u32 $0xD, s2  }
0x6: {  	s14 =	simm.s32 $0x1C700;
	s15 =	simm.s32 $0x3;
	s16 =	simm.s32 $0x0  }
0x7: {  	s10 =	ssub.s32 $0x2, s6;
	s7 =	smul.u32 $0x280, s2;
	s5 =	sshrl.u32 s1, $0x3  }
0x8: {  	s6 =	sadd.s32 $0x1600, s8;
	s30 =	sshrl.u32 s10, $0x1;
	s9 =	smul.u32 $0xC3800, s5  }
0x9: {  	s2 =	rddreg [dreg:$0x3];
	s31 =	ssub.s32 s10, s30;
	s7 =	sand.u32 $0x380, s7  }
0xa: {  	s10 =	simm.s32 $0x400;
	s5 =	simm.s32 $0x0;
	s29 =	sor.u32 s7, s9  }
0xb: {  	s8 =	smax.u32 s31, $0x1;
	[smem:$0x7FF] =	sst s5;
	s9 =	sshrl.u32 s29, $0x3  }
0xc: {  	_ =	strace $0x80000047;
	s7 =	sadd.s32 s3, s9;
	s9 =	simm.s32 $0x80  }
.LBB2_1:
0xd: {  	[tilespmem:s5], [sflag:$0x1] =	stream.strided.gather [hbm4b:s7+s9], $0xC380, s10, s9, $0x38;
	[tilespmem:$0x1E700] =	vst v63  }
0xe: {  	s17 =	simm.s32 $0xFFFFFFFF;
	s20 =	simm.s32 $0x0  }
.LBB2_2:
0xf: {  	s21 =	sadd.s32 s1, s20  }
0x10: {  	s19 =	smov.u32 s17;
	_ =	swait.ge [sflag:s11], $0xC380;
	s17 =	sshrl.u32 s21, $0x4  }
0x11: {  	s18 =	sshrl.u32 s21, $0x3;
	s23 =	sshll.u32 s21, $0x7;
	[sflag:s11] =	ssyncset.done $0x0  }
0x12: {  	s22 =	smul.u32 $0xC3800, s18;
	p0 =	seq.s32 s17, s19;
	[sflag:s11] =	ssyncadd.s32 $0xFFFF3C80  }
0x13: {  	s19 =	sshll.u32 @!p0 s17, $0xB;
	s24 =	sand.u32 @!p0 $0x70, s21;
	s26 =	simm.s32 @!p0 $0x18700  }
0x14: {  	s25 =	sand.u32 @!p0 $0xFFFC000, s19;
	s24 =	sadd.s32 @!p0 s4, s24;
	s19 =	sand.u32 $0x380, s23  }
0x15: {  	s23 =	sadd.s32 @!p0 s25, s24;
	s24 =	simm.s32 @!p0 $0x80;
	s25 =	simm.s32 @!p0 $0x400  }
0x16: {  	[tilespmem:s26], [sflag:$0x4] =	stream.strided.gather @!p0 [hbm4b:s23+s24], $0x4000, s25, s24, $0x38;
	[tilespmem:$0x1E700] =	vst v63  }
0x17: {  	s22 =	sadd.s32 s19, s22;
	s23 =	simm.s32 @!p0 $0x4  }
0x18: {  	s22 =	sadd.s32 $0x61C00, s22;
	_ =	swait.ge @!p0 [sflag:s23], $0x4000  }
0x19: {  	s22 =	sshrl.u32 s22, $0x3;
	[sflag:s23] =	ssyncset.done @!p0 $0x0  }
0x1a: {  	s22 =	sadd.s32 s3, s22;
	[sflag:s23] =	ssyncadd.s32 @!p0 $0xFFFFC000;
	p0 =	seq.s32 s20, $0x0  }
0x1b: {  	[tilespmem:s12], [sflag:$0x2] =	stream.strided.gather [hbm4b:s22+s9], $0xC380, s10, s9, $0x38;
	[tilespmem:$0x1E700] =	vst v63  }
0x1c: {  	s22 =	simm.s32 @!p0 $0x3  }
0x1d: {  	_ =	swait.ge @!p0 [sflag:s22], $0x2000  }
0x1e: {  	[sflag:s22] =	ssyncset.done @!p0 $0x0  }
0x1f: {  	s31 =	simm.s32 $0x18780;
	[sflag:s22] =	ssyncadd.s32 @!p0 $0xFFFFE000  }
0x20: {  	v0 =	vld [tilespmem:s31+$0x60]  }
0x21: {  	v1 =	vld [tilespmem:s31+$0x70]  }
0x22: {  	v2 =	vld [tilespmem:s31+$0xFFFFFF90]  }
0x23: {  	v3 =	vld [tilespmem:s31+$0xFFFFFFA0]  }
0x24: {  	v4 =	vld [tilespmem:s31+$0xFFFFFFB0]  }
0x25: {  	v5 =	vld [tilespmem:s31+$0xFFFFFFC0]  }
0x26: {  	v6 =	vld [tilespmem:s31+$0xFFFFFFD0]  }
0x27: {  	v7 =	vld [tilespmem:s31+$0xFFFFFFE0]  }
0x28: {  	v8 =	vld [tilespmem:s31+$0xFFFFFFF0]  }
0x29: {  	v9 =	vld [tilespmem:s31+$0x0];
	vm0 =	vlt.s32 v0, $0xC37F;
	vm3 =	vlt.s32 v0, $0xC380;
	vm12 =	vlt.s32 v1, $0xC37F  }
0x2a: {  	v10 =	vld [tilespmem:s31+$0x10];
	vm4 =	vlt.s32 v1, $0xC380;
	vm1 =	vlt.s32 v2, $0xC37F;
	v0 =	vnsel vm0, $0xC37F, v0  }
0x2b: {  	v11 =	vld [tilespmem:s31+$0x20];
	vm13 =	vlt.s32 v2, $0xC380;
	vm2 =	vlt.s32 v3, $0xC37F;
	v1 =	vnsel vm12, $0xC37F, v1  }
0x2c: {  	v15 =	vld [tilespmem:s31+$0xFFFFFF80];
	vm14 =	vlt.s32 v3, $0xC380;
	vm5 =	vlt.s32 v4, $0xC37F;
	vm15 =	vlt.s32 v4, $0xC380  }
0x2d: {  	v12 =	vld [tilespmem:s31+$0x30];
	vm10 =	vlt.s32 v5, $0xC37F;
	vm6 =	vlt.s32 v6, $0xC37F;
	vm11 =	vlt.s32 v7, $0xC37F  }
0x2e: {  	v13 =	vld [tilespmem:s31+$0x40];
	vm7 =	vlt.s32 v8, $0xC37F;
	vm8 =	vlt.s32 v9, $0xC37F;
	v4 =	vnsel vm5, $0xC37F, v4  }
0x2f: {  	vm9 =	vlt.s32 v10, $0xC37F;
	v2 =	vnsel vm1, $0xC37F, v2;
	v3 =	vnsel vm2, $0xC37F, v3;
	v0 =	vld.idx.msk [tilespmem:v0+s5+$0x0], vm3  }
0x30: {  	vm5 =	vlt.s32 v7, $0xC380;
	v7 =	vnsel vm11, $0xC37F, v7;
	vm12 =	vlt.s32 v11, $0xC37F;
	v1 =	vld.idx.msk [tilespmem:v1+s5+$0x0], vm4  }
0x31: {  	v14 =	vld [tilespmem:s31+$0x50];
	vm11 =	vlt.s32 v15, $0xC380;
	vm3 =	vlt.s32 v5, $0xC380;
	v5 =	vnsel vm10, $0xC37F, v5  }
0x32: {  	vm4 =	vlt.s32 v6, $0xC380;
	v6 =	vnsel vm6, $0xC37F, v6;
	vm6 =	vlt.s32 v8, $0xC380  }
0x33: {  	v8 =	vnsel vm7, $0xC37F, v8;
	vm7 =	vlt.s32 v9, $0xC380;
	v9 =	vnsel vm8, $0xC37F, v9;
	v4 =	vld.idx.msk [tilespmem:v4+s5+$0x0], vm15  }
0x34: {  	vm8 =	vlt.s32 v10, $0xC380;
	v10 =	vnsel vm9, $0xC37F, v10;
	v2 =	vld.idx.msk [tilespmem:v2+s5+$0x0], vm13;
	vm13 =	vlt.s32 v12, $0xC37F  }
0x35: {  	v3 =	vld.idx.msk [tilespmem:v3+s5+$0x0], vm14;
	vm14 =	vlt.s32 v13, $0xC37F;
	v16 =	vshrl.u32 v0, $0x10;
	v17 =	vshrl.u32 v1, $0x10  }
0x36: {  	vm15 =	vlt.s32 v14, $0xC37F;
	v16 =	vand.u32 $0x1, v16;
	v17 =	vand.u32 $0x1, v17  }
0x37: {  	vm10 =	vlt.s32 v15, $0xC37F;
	v5 =	vld.idx.msk [tilespmem:v5+s5+$0x0], vm3;
	v0 =	vadd.s32 v16, v0;
	v1 =	vadd.s32 v17, v1  }
0x38: {  	v58 =	vshrl.u32 v4, $0x10;
	v6 =	vld.idx.msk [tilespmem:v6+s5+$0x0], vm4;
	v0 =	vadd.s32 $0x7FFF, v0;
	v1 =	vadd.s32 $0x7FFF, v1  }
0x39: {  	v8 =	vld.idx.msk [tilespmem:v8+s5+$0x0], vm6;
	v17 =	vand.u32 $0x1, v58;
	v0 =	vshrl.u32 v0, $0x10;
	v1 =	vand.u32 $0xFFFF0000, v1  }
0x3a: {  	v57 =	vnsel vm10, $0xC37F, v15;
	v10 =	vld.idx.msk [tilespmem:v10+s5+$0x0], vm8;
	v4 =	vadd.s32 v17, v4;
	v15 =	vor.u32 v0, v1  }
0x3b: {  	v0 =	vld.idx.msk [tilespmem:v7+s5+$0x0], vm5;
	v1 =	vnsel vm12, $0xC37F, v11;
	vm12 =	vlt.s32 v11, $0xC380;
	v7 =	vnsel vm13, $0xC37F, v12  }
0x3c: {  	v9 =	vld.idx.msk [tilespmem:v9+s5+$0x0], vm7;
	vm13 =	vlt.s32 v12, $0xC380;
	v11 =	vnsel vm14, $0xC37F, v13;
	vm14 =	vlt.s32 v13, $0xC380  }
0x3d: {  	v12 =	vshrl.u32 v2, $0x10;
	v13 =	vnsel vm15, $0xC37F, v14;
	vm15 =	vlt.s32 v14, $0xC380  }
0x3e: {  	v14 =	vshrl.u32 v3, $0x10;
	v18 =	vshrl.u32 v5, $0x10;
	v12 =	vand.u32 $0x1, v12  }
0x3f: {  	v14 =	vand.u32 $0x1, v14;
	v19 =	vshrl.u32 v6, $0x10;
	v59 =	vshrl.u32 v10, $0x10  }
0x40: {  	v16 =	vld.idx.msk [tilespmem:v57+s5+$0x0], vm11;
	v18 =	vand.u32 $0x1, v18;
	v19 =	vand.u32 $0x1, v19;
	v2 =	vadd.s32 v12, v2  }
0x41: {  	v12 =	vshrl.u32 v8, $0x10;
	v3 =	vadd.s32 v14, v3;
	v14 =	vshrl.u32 v9, $0x10  }
0x42: {  	v17 =	vand.u32 $0x1, v59;
	v12 =	vand.u32 $0x1, v12;
	v14 =	vand.u32 $0x1, v14;
	v1 =	vld.idx.msk [tilespmem:v1+s5+$0x0], vm12  }
0x43: {  	v5 =	vadd.s32 v18, v5;
	v6 =	vadd.s32 v19, v6;
	v17 =	vadd.s32 v17, v10;
	v7 =	vld.idx.msk [tilespmem:v7+s5+$0x0], vm13  }
0x44: {  	v60 =	vadd.s32 $0x7FFF, v2;
	v10 =	vadd.s32 $0x7FFF, v4;
	v12 =	vadd.s32 v12, v8  }
0x45: {  	v8 =	vshrl.u32 v16, $0x10;
	v14 =	vadd.s32 v14, v9;
	v20 =	vshrl.u32 v0, $0x10;
	v11 =	vld.idx.msk [tilespmem:v11+s5+$0x0], vm14  }
0x46: {  	v4 =	vadd.s32 $0x7FFF, v17;
	v8 =	vand.u32 $0x1, v8;
	v20 =	vand.u32 $0x1, v20;
	v13 =	vld.idx.msk [tilespmem:v13+s5+$0x0], vm15  }
0x47: {  	v8 =	vadd.s32 v8, v16;
	v0 =	vadd.s32 v20, v0;
	v2 =	vshrl.u32 v1, $0x10  }
0x48: {  	v62 =	vadd.s32 $0x7FFF, v8;
	v9 =	vshrl.u32 v7, $0x10;
	v2 =	vand.u32 $0x1, v2  }
0x49: {  	v8 =	vadd.s32 $0x7FFF, v6;
	v1 =	vadd.s32 v2, v1;
	v2 =	vand.u32 $0x1, v9  }
0x4a: {  	v6 =	vadd.s32 $0x7FFF, v0;
	v9 =	vshrl.u32 v11, $0x10;
	v61 =	vadd.s32 v2, v7  }
0x4b: {  	v2 =	vand.u32 $0x1, v9;
	v7 =	vshrl.u32 v13, $0x10;
	v9 =	vadd.s32 $0x7FFF, v3  }
0x4c: {  	v3 =	vadd.s32 $0x7FFF, v14;
	v63 =	vadd.s32 v2, v11;
	v2 =	vand.u32 $0x1, v7  }
0x4d: {  	v11 =	vadd.s32 $0x7FFF, v5;
	v7 =	vadd.s32 $0x7FFF, v12;
	v12 =	vshrl.u32 v62, $0x10  }
0x4e: {  	s22 =	simm.s32 $0x1C740;
	v21 =	vadd.s32 v2, v13;
	v2 =	vadd.s32 $0x7FFF, v1;
	v1 =	vadd.s32 $0x7FFF, v61  }
0x4f: {  	s24 =	simm.s32 $0x18880;
	s23 =	simm.s32 $0x0;
	[tilespmem:s22+$0x30] =	vst v15;
	v0 =	vadd.s32 $0x7FFF, v63;
	v13 =	vand.u32 $0xFFFF0000, v60;
	v5 =	vadd.s32 $0x7FFF, v21  }
.LBB2_3:
0x50: {  	v14 =	vld [tilespmem:s24+$0x60];
	v9 =	vshrl.u32 v9, $0x10;
	v10 =	vand.u32 $0xFFFF0000, v10;
	v11 =	vshrl.u32 v11, $0x10  }
0x51: {  	s23 =	sadd.s32 $0x8, s23;
	v8 =	vand.u32 $0xFFFF0000, v8;
	v6 =	vshrl.u32 v6, $0x10;
	v7 =	vand.u32 $0xFFFF0000, v7;
	v15 =	vld [tilespmem:s24+$0x70]  }
0x52: {  	v3 =	vshrl.u32 v3, $0x10;
	v4 =	vand.u32 $0xFFFF0000, v4;
	v2 =	vshrl.u32 v2, $0x10;
	p0 =	slt.u32 s23, $0x1F8;
	v16 =	vld [tilespmem:s24+$0xFFFFFF90]  }
0x53: {  	v1 =	vand.u32 $0xFFFF0000, v1;
	v0 =	vshrl.u32 v0, $0x10;
	v5 =	vand.u32 $0xFFFF0000, v5;
	v17 =	vld [tilespmem:s24+$0xFFFFFFA0]  }
0x54: {  	v12 =	vor.u32 v12, v13;
	v9 =	vor.u32 v9, v10;
	v8 =	vor.u32 v11, v8;
	v18 =	vld [tilespmem:s24+$0xFFFFFFB0]  }
0x55: {  	v6 =	vor.u32 v6, v7;
	v10 =	vld [tilespmem:s24+$0xFFFFFFC0];
	vm1 =	vlt.s32 v14, $0xC37F;
	vm0 =	vlt.s32 v14, $0xC380;
	[tilespmem:s22+$0xFFFFFFC0] =	vst v12  }
0x56: {  	v7 =	vld [tilespmem:s24+$0xFFFFFFD0];
	v11 =	vnsel vm1, $0xC37F, v14;
	vm1 =	vlt.s32 v15, $0xC37F;
	vm2 =	vlt.s32 v15, $0xC380;
	[tilespmem:s22+$0xFFFFFFD0] =	vst v9  }
0x57: {  	vm4 =	vlt.s32 v16, $0xC37F;
	vm3 =	vlt.s32 v16, $0xC380;
	v9 =	vld [tilespmem:s24+$0xFFFFFFE0];
	v12 =	vnsel vm1, $0xC37F, v15;
	[tilespmem:s22+$0xFFFFFFE0] =	vst v8  }
0x58: {  	v8 =	vnsel vm4, $0xC37F, v16;
	vm1 =	vlt.s32 v17, $0xC37F;
	vm6 =	vlt.s32 v17, $0xC380;
	v13 =	vld [tilespmem:s24+$0xFFFFFFF0];
	[tilespmem:s22+$0xFFFFFFF0] =	vst v6  }
0x59: {  	v6 =	vnsel vm1, $0xC37F, v17;
	vm1 =	vlt.s32 v18, $0xC37F;
	vm7 =	vlt.s32 v18, $0xC380;
	v14 =	vld [tilespmem:s24+$0x0]  }
0x5a: {  	v15 =	vnsel vm1, $0xC37F, v18;
	vm1 =	vlt.s32 v10, $0xC37F;
	vm8 =	vlt.s32 v10, $0xC380;
	v16 =	vld [tilespmem:s24+$0x10]  }
0x5b: {  	v10 =	vnsel vm1, $0xC37F, v10;
	vm1 =	vlt.s32 v7, $0xC37F;
	vm4 =	vlt.s32 v7, $0xC380;
	v11 =	vld.idx.msk [tilespmem:v11+s5+$0x0], vm0  }
0x5c: {  	v7 =	vnsel vm1, $0xC37F, v7;
	vm0 =	vlt.s32 v9, $0xC37F;
	vm1 =	vlt.s32 v9, $0xC380;
	v12 =	vld.idx.msk [tilespmem:v12+s5+$0x0], vm2  }
0x5d: {  	v9 =	vnsel vm0, $0xC37F, v9;
	vm0 =	vlt.s32 v13, $0xC37F;
	vm5 =	vlt.s32 v13, $0xC380;
	v17 =	vld [tilespmem:s24+$0x20]  }
0x5e: {  	v13 =	vnsel vm0, $0xC37F, v13;
	vm0 =	vlt.s32 v14, $0xC37F;
	vm2 =	vlt.s32 v14, $0xC380;
	v18 =	vld [tilespmem:s24+$0x30]  }
0x5f: {  	v14 =	vnsel vm0, $0xC37F, v14;
	vm9 =	vlt.s32 v16, $0xC37F;
	vm0 =	vlt.s32 v16, $0xC380;
	v19 =	vld [tilespmem:s24+$0x40]  }
0x60: {  	v3 =	vor.u32 v3, v4;
	v1 =	vor.u32 v2, v1;
	v16 =	vnsel vm9, $0xC37F, v16;
	v20 =	vld [tilespmem:s24+$0x50]  }
0x61: {  	v0 =	vor.u32 v0, v5;
	v2 =	vld [tilespmem:s24+$0xFFFFFF80];
	[tilespmem:s22+$0x0] =	vst v3  }
0x62: {  	v4 =	vshrl.u32 v11, $0x10;
	v5 =	vshrl.u32 v12, $0x10;
	v3 =	vld.idx.msk [tilespmem:v8+s5+$0x0], vm3;
	vm3 =	vlt.s32 v17, $0xC37F;
	[tilespmem:s22+$0x10] =	vst v1  }
0x63: {  	v4 =	vand.u32 $0x1, v4;
	v5 =	vand.u32 $0x1, v5;
	v1 =	vld.idx.msk [tilespmem:v6+s5+$0x0], vm6;
	vm6 =	vlt.s32 v18, $0xC37F;
	[tilespmem:s22+$0x20] =	vst v0  }
0x64: {  	v4 =	vadd.s32 v4, v11;
	v5 =	vadd.s32 v5, v12;
	v0 =	vld.idx.msk [tilespmem:v15+s5+$0x0], vm7;
	vm7 =	vlt.s32 v19, $0xC37F  }
0x65: {  	v4 =	vadd.s32 $0x7FFF, v4;
	v5 =	vadd.s32 $0x7FFF, v5;
	v6 =	vld.idx.msk [tilespmem:v10+s5+$0x0], vm8;
	vm8 =	vlt.s32 v20, $0xC37F  }
0x66: {  	v4 =	vshrl.u32 v4, $0x10;
	v5 =	vand.u32 $0xFFFF0000, v5;
	vm9 =	vlt.s32 v2, $0xC37F;
	v7 =	vld.idx.msk [tilespmem:v7+s5+$0x0], vm4  }
0x67: {  	s22 =	sadd.s32 $0x80, s22;
	vm4 =	vlt.s32 v2, $0xC380;
	v4 =	vor.u32 v4, v5;
	v8 =	vnsel vm9, $0xC37F, v2;
	v2 =	vld.idx.msk [tilespmem:v9+s5+$0x0], vm1  }
0x68: {  	v10 =	vnsel vm6, $0xC37F, v18;
	v9 =	vnsel vm3, $0xC37F, v17;
	vm3 =	vlt.s32 v17, $0xC380;
	v5 =	vld.idx.msk [tilespmem:v13+s5+$0x0], vm5;
	[tilespmem:s22+$0x30] =	vst v4  }
0x69: {  	v11 =	vnsel vm7, $0xC37F, v19;
	vm1 =	vlt.s32 v19, $0xC380;
	v4 =	vld.idx.msk [tilespmem:v14+s5+$0x0], vm2;
	vm2 =	vlt.s32 v18, $0xC380  }
0x6a: {  	v12 =	vshrl.u32 v3, $0x10;
	v14 =	vnsel vm8, $0xC37F, v20;
	v13 =	vld.idx.msk [tilespmem:v16+s5+$0x0], vm0;
	vm0 =	vlt.s32 v20, $0xC380  }
0x6b: {  	v15 =	vshrl.u32 v1, $0x10;
	v16 =	vshrl.u32 v0, $0x10;
	v17 =	vshrl.u32 v6, $0x10  }
0x6c: {  	v12 =	vand.u32 $0x1, v12;
	v15 =	vand.u32 $0x1, v15;
	v18 =	vshrl.u32 v7, $0x10  }
0x6d: {  	v16 =	vand.u32 $0x1, v16;
	v17 =	vand.u32 $0x1, v17;
	v19 =	vshrl.u32 v2, $0x10;
	v8 =	vld.idx.msk [tilespmem:v8+s5+$0x0], vm4  }
0x6e: {  	v18 =	vand.u32 $0x1, v18;
	v19 =	vand.u32 $0x1, v19;
	v20 =	vshrl.u32 v5, $0x10;
	v9 =	vld.idx.msk [tilespmem:v9+s5+$0x0], vm3  }
0x6f: {  	v3 =	vadd.s32 v12, v3;
	v12 =	vand.u32 $0x1, v20;
	v20 =	vshrl.u32 v4, $0x10;
	v10 =	vld.idx.msk [tilespmem:v10+s5+$0x0], vm2  }
0x70: {  	v1 =	vadd.s32 v15, v1;
	v15 =	vand.u32 $0x1, v20;
	v20 =	vshrl.u32 v13, $0x10;
	v11 =	vld.idx.msk [tilespmem:v11+s5+$0x0], vm1  }
0x71: {  	v0 =	vadd.s32 v16, v0;
	v6 =	vadd.s32 v17, v6;
	v16 =	vand.u32 $0x1, v20;
	v14 =	vld.idx.msk [tilespmem:v14+s5+$0x0], vm0  }
0x72: {  	v7 =	vadd.s32 v18, v7;
	v2 =	vadd.s32 v19, v2;
	v5 =	vadd.s32 v12, v5  }
0x73: {  	v4 =	vadd.s32 v15, v4;
	v13 =	vadd.s32 v16, v13;
	v12 =	vshrl.u32 v8, $0x10  }
0x74: {  	v15 =	vadd.s32 $0x7FFF, v3;
	v12 =	vand.u32 $0x1, v12;
	v3 =	vshrl.u32 v9, $0x10  }
0x75: {  	v8 =	vadd.s32 v12, v8;
	v3 =	vand.u32 $0x1, v3;
	v12 =	vshrl.u32 v10, $0x10  }
0x76: {  	v16 =	vadd.s32 v3, v9;
	v3 =	vand.u32 $0x1, v12;
	v9 =	vshrl.u32 v11, $0x10  }
0x77: {  	v12 =	vadd.s32 v3, v10;
	v3 =	vand.u32 $0x1, v9;
	v9 =	vshrl.u32 v14, $0x10  }
0x78: {  	v17 =	vadd.s32 $0x7FFF, v8;
	v18 =	vadd.s32 v3, v11;
	v3 =	vand.u32 $0x1, v9  }
.Ltmp0:
0x79: {  	v10 =	vadd.s32 $0x7FFF, v0;
	v9 =	vadd.s32 $0x7FFF, v1;
	v14 =	vadd.s32 v3, v14;
	(pc) =	sbr.rel @p0 .LBB2_3-.Ltmp0, $4  }
0x7a: {  	v8 =	vadd.s32 $0x7FFF, v7;
	v11 =	vadd.s32 $0x7FFF, v6;
	v6 =	vadd.s32 $0x7FFF, v2  }
0x7b: {  	v7 =	vadd.s32 $0x7FFF, v5;
	v3 =	vadd.s32 $0x7FFF, v4;
	v4 =	vadd.s32 $0x7FFF, v13  }
0x7c: {  	v2 =	vadd.s32 $0x7FFF, v16;
	v1 =	vadd.s32 $0x7FFF, v12;
	v0 =	vadd.s32 $0x7FFF, v18  }
0x7d: {  	s24 =	sadd.s32 $0x100, s24;
	v12 =	vshrl.u32 v17, $0x10;
	v13 =	vand.u32 $0xFFFF0000, v15;
	v5 =	vadd.s32 $0x7FFF, v14  }
0x7e: {  	v9 =	vshrl.u32 v9, $0x10;
	v10 =	vand.u32 $0xFFFF0000, v10;
	v12 =	vor.u32 v12, v13  }
0x7f: {  	v11 =	vshrl.u32 v11, $0x10;
	v8 =	vand.u32 $0xFFFF0000, v8;
	v9 =	vor.u32 v9, v10;
	[tilespmem:s22+$0xFFFFFFC0] =	vst v12  }
0x80: {  	v6 =	vshrl.u32 v6, $0x10;
	v7 =	vand.u32 $0xFFFF0000, v7;
	v8 =	vor.u32 v11, v8;
	[tilespmem:s22+$0xFFFFFFD0] =	vst v9  }
0x81: {  	v3 =	vshrl.u32 v3, $0x10;
	v4 =	vand.u32 $0xFFFF0000, v4;
	p0 =	seq.s32 s20, $0xC;
	v6 =	vor.u32 v6, v7;
	[tilespmem:s22+$0xFFFFFFE0] =	vst v8  }
0x82: {  	v2 =	vshrl.u32 v2, $0x10;
	v1 =	vand.u32 $0xFFFF0000, v1;
	v3 =	vor.u32 v3, v4;
	s21 =	sadd.s32 @!p0 $0x1, s21;
	[tilespmem:s22+$0xFFFFFFF0] =	vst v6  }
0x83: {  	v0 =	vshrl.u32 v0, $0x10;
	v4 =	vand.u32 $0xFFFF0000, v5;
	v1 =	vor.u32 v2, v1;
	[tilespmem:s22+$0x0] =	vst v3;
	s23 =	sshrl.u32 @!p0 s21, $0x3  }
0x84: {  	v0 =	vor.u32 v0, v4;
	[tilespmem:s22+$0x10] =	vst v1;
	s21 =	sshll.u32 @!p0 s21, $0x7;
	s23 =	smul.u32 @!p0 $0xC3800, s23  }
0x85: {  	s31 =	simm.s32 $0x18780;
	[tilespmem:s22+$0x20] =	vst v0;
	s21 =	sand.u32 @!p0 $0x380, s21  }
0x86: {  	s24 =	simm.s32 @!p0 $0x0;
	_ =	swait.ge [sflag:s13], $0xC380;
	s21 =	sor.u32 @!p0 s21, s23  }
0x87: {  	s22 =	simm.s32 @!p0 $0x80;
	[sflag:s13] =	ssyncset.done $0x0;
	s21 =	sshrl.u32 @!p0 s21, $0x3  }
0x88: {  	s23 =	simm.s32 @!p0 $0x400;
	[sflag:s13] =	ssyncadd.s32 $0xFFFF3C80;
	s21 =	sadd.s32 @!p0 s3, s21  }
0x89: {  	[tilespmem:s24], [sflag:$0x1] =	stream.strided.gather @!p0 [hbm4b:s21+s22], $0xC380, s23, s22, $0x38;
	[tilespmem:$0x1E700] =	vst v63  }
0x8a: {  	v0 =	vld [tilespmem:s31+$0x60]  }
0x8b: {  	v1 =	vld [tilespmem:s31+$0x70]  }
0x8c: {  	v2 =	vld [tilespmem:s31+$0xFFFFFF90]  }
0x8d: {  	v3 =	vld [tilespmem:s31+$0xFFFFFFA0]  }
0x8e: {  	v4 =	vld [tilespmem:s31+$0xFFFFFFB0]  }
0x8f: {  	v5 =	vld [tilespmem:s31+$0xFFFFFFC0]  }
0x90: {  	v7 =	vld [tilespmem:s31+$0xFFFFFFD0]  }
0x91: {  	v8 =	vld [tilespmem:s31+$0xFFFFFFE0]  }
0x92: {  	v10 =	vld [tilespmem:s31+$0xFFFFFFF0]  }
0x93: {  	v12 =	vld [tilespmem:s31+$0x0]  }
0x94: {  	v14 =	vld [tilespmem:s31+$0x10]  }
0x95: {  	v16 =	vld [tilespmem:s31+$0x20]  }
0x96: {  	v20 =	vld [tilespmem:s31+$0x30];
	v6 =	vadd.s32 $0xFFFF3C80, v0;
	vm0 =	vgt.s32 v0, $0xC37F  }
0x97: {  	v22 =	vld [tilespmem:s31+$0x40];
	v0 =	vadd.s32 $0xFFFF3C80, v1;
	vm1 =	vgt.s32 v1, $0xC37F;
	v9 =	vadd.s32 $0xFFFF3C80, v3  }
0x98: {  	v24 =	vld [tilespmem:s31+$0x50];
	v11 =	vadd.s32 $0xFFFF3C80, v4;
	v13 =	vadd.s32 $0xFFFF3C80, v5;
	v15 =	vadd.s32 $0xFFFF3C80, v7  }
0x99: {  	v17 =	vadd.s32 $0xFFFF3C80, v8;
	v18 =	vadd.s32 $0xFFFF3C80, v10;
	v19 =	vadd.s32 $0xFFFF3C80, v12  }
0x9a: {  	v21 =	vadd.s32 $0xFFFF3C80, v14;
	v23 =	vadd.s32 $0xFFFF3C80, v16;
	vm2 =	vgt.s32 v6, $0x0  }
0x9b: {  	vm13 =	vgt.s32 v2, $0xC37F;
	v1 =	vnsel vm2, $0x0, v6;
	vm2 =	vgt.s32 v0, $0x0  }
0x9c: {  	vm12 =	vgt.s32 v3, $0xC37F;
	v3 =	vadd.s32 $0xFFFF3C80, v20;
	v0 =	vnsel vm2, $0x0, v0  }
0x9d: {  	v28 =	vadd.s32 $0xFFFF3C80, v22;
	v29 =	vadd.s32 $0xFFFF3C80, v24;
	vm8 =	vgt.s32 v4, $0xC37F  }
0x9e: {  	vm4 =	vgt.s32 v5, $0xC37F;
	vm9 =	vgt.s32 v7, $0xC37F;
	vm5 =	vgt.s32 v8, $0xC37F  }
0x9f: {  	vm11 =	vgt.s32 v10, $0xC37F;
	vm10 =	vgt.s32 v14, $0xC37F;
	vm3 =	vgt.s32 v9, $0x0  }
0xa0: {  	v6 =	vadd.s32 $0xFFFF3C80, v2;
	v9 =	vnsel vm3, $0x0, v9;
	vm3 =	vgt.s32 v13, $0x0;
	v1 =	vld.idx.msk [tilespmem:v1+s12+$0x0], vm0  }
0xa1: {  	s21 =	simm.s32 $0x1C740;
	vm6 =	vgt.s32 v20, $0xC37F;
	vm2 =	vgt.s32 v6, $0x0;
	v13 =	vnsel vm3, $0x0, v13;
	v0 =	vld.idx.msk [tilespmem:v0+s12+$0x0], vm1  }
0xa2: {  	v2 =	vld [tilespmem:s21+$0x30];
	vm3 =	vgt.s32 v17, $0x0;
	v6 =	vnsel vm2, $0x0, v6;
	vm2 =	vgt.s32 v11, $0x0  }
0xa3: {  	v17 =	vnsel vm3, $0x0, v17;
	v11 =	vnsel vm2, $0x0, v11;
	vm2 =	vgt.s32 v15, $0x0  }
0xa4: {  	v25 =	vld [tilespmem:s31+$0xFFFFFF80];
	vm3 =	vgt.s32 v19, $0x0;
	v15 =	vnsel vm2, $0x0, v15;
	vm2 =	vgt.s32 v18, $0x0  }
0xa5: {  	v31 =	vld [tilespmem:s21+$0xFFFFFFD0];
	v19 =	vnsel vm3, $0x0, v19;
	vm3 =	vgt.s32 v28, $0x0;
	v18 =	vnsel vm2, $0x0, v18  }
0xa6: {  	v54 =	vld [tilespmem:s21+$0xFFFFFFE0];
	vm2 =	vgt.s32 v21, $0x0;
	v26 =	vshrl.u32 v1, $0x10;
	v27 =	vshrl.u32 v0, $0x10  }
0xa7: {  	v55 =	vld [tilespmem:s21+$0x0];
	v30 =	vand.u32 $0xFFFF, v2;
	v26 =	vand.u32 $0x1, v26;
	v27 =	vand.u32 $0x1, v27  }
0xa8: {  	v4 =	vld.idx.msk [tilespmem:v9+s12+$0x0], vm12;
	v21 =	vnsel vm2, $0x0, v21;
	v1 =	vadd.s32 v26, v1;
	v0 =	vadd.s32 v27, v0  }
0xa9: {  	v8 =	vld.idx.msk [tilespmem:v11+s12+$0x0], vm8;
	v26 =	vadd.s32 $0xFFFF3C80, v25;
	v1 =	vadd.s32 $0x7FFF, v1;
	v0 =	vadd.s32 $0x7FFF, v0  }
0xaa: {  	v11 =	vld.idx.msk [tilespmem:v15+s12+$0x0], vm9;
	v1 =	vshrl.u32 v1, $0x10;
	v0 =	vsel vm1, v0, v2;
	vm1 =	vgt.s32 v26, $0x0  }
0xab: {  	v1 =	vsel vm0, v1, v30;
	vm0 =	vgt.s32 v25, $0xC37F;
	v2 =	vld.idx.msk [tilespmem:v6+s12+$0x0], vm13;
	v0 =	vand.u32 $0xFFFF0000, v0  }
0xac: {  	vm2 =	vgt.s32 v23, $0x0;
	v15 =	vld.idx.msk [tilespmem:v18+s12+$0x0], vm11;
	v32 =	vor.u32 v1, v0;
	v1 =	vnsel vm1, $0x0, v26  }
0xad: {  	v23 =	vnsel vm2, $0x0, v23;
	vm2 =	vgt.s32 v3, $0x0;
	v18 =	vld.idx.msk [tilespmem:v21+s12+$0x0], vm10;
	vm1 =	vgt.s32 v29, $0x0  }
0xae: {  	v10 =	vld.idx.msk [tilespmem:v13+s12+$0x0], vm4;
	v6 =	vnsel vm2, $0x0, v3;
	v25 =	vnsel vm1, $0x0, v29;
	vm1 =	vgt.s32 v22, $0xC37F  }
0xaf: {  	vm7 =	vgt.s32 v24, $0xC37F;
	v9 =	vnsel vm3, $0x0, v28;
	v27 =	vld [tilespmem:s21+$0xFFFFFFC0]  }
0xb0: {  	vm3 =	vgt.s32 v16, $0xC37F;
	v13 =	vld.idx.msk [tilespmem:v17+s12+$0x0], vm5;
	vm2 =	vgt.s32 v12, $0xC37F;
	v3 =	vshrl.u32 v2, $0x10  }
0xb1: {  	v5 =	vshrl.u32 v4, $0x10;
	v17 =	vshrl.u32 v8, $0x10;
	v3 =	vand.u32 $0x1, v3;
	v7 =	vld.idx.msk [tilespmem:v1+s12+$0x0], vm0  }
0xb2: {  	v21 =	vshrl.u32 v18, $0x10;
	v26 =	vld [tilespmem:s21+$0xFFFFFFF0];
	v2 =	vadd.s32 v3, v2;
	v3 =	vand.u32 $0x1, v5  }
0xb3: {  	v21 =	vand.u32 $0x1, v21;
	v20 =	vld.idx.msk [tilespmem:v6+s12+$0x0], vm6;
	v2 =	vadd.s32 $0x7FFF, v2;
	v4 =	vadd.s32 v3, v4  }
0xb4: {  	v18 =	vadd.s32 v21, v18;
	v12 =	vsel vm13, v2, v27;
	v2 =	vadd.s32 $0x7FFF, v4;
	v9 =	vld.idx.msk [tilespmem:v9+s12+$0x0], vm1  }
0xb5: {  	v63 =	vadd.s32 $0x7FFF, v18;
	v5 =	vand.u32 $0xFFFF, v31;
	v14 =	vshrl.u32 v2, $0x10  }
0xb6: {  	v1 =	vand.u32 $0xFFFF, v27;
	v5 =	vsel vm12, v14, v5;
	v14 =	vld.idx.msk [tilespmem:v19+s12+$0x0], vm2;
	v16 =	vshrl.u32 v7, $0x10  }
0xb7: {  	v3 =	vand.u32 $0xFFFF, v54;
	v4 =	vand.u32 $0xFFFF, v26;
	v19 =	vld.idx.msk [tilespmem:v23+s12+$0x0], vm3;
	v16 =	vand.u32 $0x1, v16  }
0xb8: {  	v2 =	vand.u32 $0xFFFF, v55;
	v58 =	vshrl.u32 v20, $0x10;
	v16 =	vadd.s32 v16, v7  }
0xb9: {  	v7 =	vand.u32 $0x1, v17;
	v17 =	vshrl.u32 v10, $0x10;
	v59 =	vshrl.u32 v9, $0x10  }
0xba: {  	v8 =	vadd.s32 v7, v8;
	v7 =	vand.u32 $0x1, v17;
	v17 =	vshrl.u32 v11, $0x10  }
0xbb: {  	v60 =	vand.u32 $0x1, v59;
	v16 =	vadd.s32 $0x7FFF, v16;
	v10 =	vadd.s32 v7, v10  }
0xbc: {  	v6 =	vand.u32 $0x1, v17;
	v7 =	vshrl.u32 v13, $0x10;
	v56 =	vshrl.u32 v19, $0x10  }
0xbd: {  	v9 =	vadd.s32 v60, v9;
	v8 =	vadd.s32 $0x7FFF, v8;
	v18 =	vshrl.u32 v16, $0x10  }
0xbe: {  	v11 =	vadd.s32 v6, v11;
	v6 =	vand.u32 $0x1, v7;
	v7 =	vshrl.u32 v15, $0x10  }
0xbf: {  	v17 =	vld.idx.msk [tilespmem:v25+s12+$0x0], vm7;
	v57 =	vand.u32 $0x1, v56;
	v10 =	vadd.s32 $0x7FFF, v10;
	v25 =	vadd.s32 $0x7FFF, v9  }
0xc0: {  	v0 =	vld [tilespmem:s21+$0x10];
	v16 =	vsel vm8, v8, v31;
	v13 =	vadd.s32 v6, v13;
	v6 =	vand.u32 $0x1, v7  }
0xc1: {  	v7 =	vshrl.u32 v14, $0x10;
	v21 =	vadd.s32 v57, v19;
	v19 =	vand.u32 $0xFFFF0000, v12  }
0xc2: {  	v12 =	vand.u32 $0x1, v58;
	v11 =	vadd.s32 $0x7FFF, v11;
	v8 =	vshrl.u32 v10, $0x10  }
0xc3: {  	v15 =	vadd.s32 v6, v15;
	v7 =	vand.u32 $0x1, v7;
	v20 =	vadd.s32 v12, v20  }
0xc4: {  	v6 =	vld [tilespmem:s21+$0x20];
	v13 =	vadd.s32 $0x7FFF, v13;
	v21 =	vadd.s32 $0x7FFF, v21;
	v9 =	vsel vm9, v11, v54  }
0xc5: {  	v14 =	vadd.s32 v7, v14;
	v7 =	vand.u32 $0xFFFF, v0;
	v15 =	vadd.s32 $0x7FFF, v15  }
0xc6: {  	v24 =	vadd.s32 $0x7FFF, v20;
	v10 =	vshrl.u32 v13, $0x10;
	v61 =	vshrl.u32 v17, $0x10  }
0xc7: {  	v11 =	vshrl.u32 v21, $0x10;
	v14 =	vadd.s32 $0x7FFF, v14;
	v62 =	vand.u32 $0x1, v61  }
0xc8: {  	s20 =	sadd.s32 $0x1, s20;
	v13 =	vsel vm11, v15, v26;
	v15 =	vsel vm10, v63, v55;
	v17 =	vadd.s32 v62, v17  }
0xc9: {  	s23 =	simm.s32 $0x0;
	s24 =	simm.s32 $0x18880;
	s22 =	simm.s32 $0x1C740;
	[tilespmem:s21+$0x30] =	vst v32;
	v14 =	vshrl.u32 v14, $0x10;
	v12 =	vand.u32 $0xFFFF, v6;
	v17 =	vadd.s32 $0x7FFF, v17  }
.LBB2_5:
0xca: {  	v20 =	vld [tilespmem:s24+$0x60];
	v0 =	vsel vm6, v24, v0;
	v21 =	vshrl.u32 v25, $0x10;
	v6 =	vsel vm7, v17, v6  }
0xcb: {  	s23 =	sadd.s32 $0x8, s23;
	v1 =	vsel vm0, v18, v1;
	v23 =	vand.u32 $0xFFFF0000, v16;
	v8 =	vsel vm4, v8, v3;
	v22 =	vld [tilespmem:s24+$0x70]  }
0xcc: {  	v9 =	vand.u32 $0xFFFF0000, v9;
	v10 =	vsel vm5, v10, v4;
	v13 =	vand.u32 $0xFFFF0000, v13;
	p0 =	slt.u32 s23, $0x1F8;
	v3 =	vld [tilespmem:s24+$0xFFFFFF90]  }
0xcd: {  	v14 =	vsel vm2, v14, v2;
	v17 =	vand.u32 $0xFFFF0000, v15;
	v11 =	vsel vm3, v11, v7;
	v4 =	vld [tilespmem:s24+$0xFFFFFFA0]  }
0xce: {  	v15 =	vand.u32 $0xFFFF0000, v0;
	v16 =	vsel vm1, v21, v12;
	v18 =	vand.u32 $0xFFFF0000, v6;
	v2 =	vld [tilespmem:s24+$0xFFFFFFB0]  }
0xcf: {  	v1 =	vor.u32 v1, v19;
	v5 =	vor.u32 v5, v23;
	v7 =	vld [tilespmem:s24+$0xFFFFFFC0];
	v0 =	vadd.s32 $0xFFFF3C80, v20  }
0xd0: {  	vm0 =	vgt.s32 v20, $0xC37F;
	v12 =	vld [tilespmem:s24+$0xFFFFFFD0];
	vm2 =	vgt.s32 v0, $0x0;
	v6 =	vadd.s32 $0xFFFF3C80, v22;
	[tilespmem:s21+$0xFFFFFFC0] =	vst v1  }
0xd1: {  	vm1 =	vgt.s32 v22, $0xC37F;
	v1 =	vld [tilespmem:s24+$0xFFFFFFE0];
	v0 =	vnsel vm2, $0x0, v0;
	vm2 =	vgt.s32 v6, $0x0;
	[tilespmem:s21+$0xFFFFFFD0] =	vst v5  }
0xd2: {  	v5 =	vadd.s32 $0xFFFF3C80, v3;
	v19 =	vadd.s32 $0xFFFF3C80, v4;
	v24 =	vld [tilespmem:s24+$0xFFFFFFF0];
	v6 =	vnsel vm2, $0x0, v6  }
0xd3: {  	vm2 =	vgt.s32 v5, $0x0;
	vm3 =	vgt.s32 v19, $0x0;
	v20 =	vadd.s32 $0xFFFF3C80, v2;
	v25 =	vld [tilespmem:s24+$0x0]  }
0xd4: {  	v5 =	vnsel vm2, $0x0, v5;
	vm2 =	vgt.s32 v20, $0x0;
	v21 =	vadd.s32 $0xFFFF3C80, v7;
	v26 =	vld [tilespmem:s24+$0x10]  }
0xd5: {  	v19 =	vnsel vm3, $0x0, v19;
	vm3 =	vgt.s32 v21, $0x0;
	v22 =	vadd.s32 $0xFFFF3C80, v12;
	v27 =	vld [tilespmem:s24+$0x20]  }
0xd6: {  	v28 =	vnsel vm2, $0x0, v20;
	vm2 =	vgt.s32 v22, $0x0;
	v20 =	vadd.s32 $0xFFFF3C80, v1;
	v0 =	vld.idx.msk [tilespmem:v0+s12+$0x0], vm0  }
0xd7: {  	v29 =	vnsel vm3, $0x0, v21;
	vm3 =	vgt.s32 v20, $0x0;
	v21 =	vadd.s32 $0xFFFF3C80, v24;
	v6 =	vld.idx.msk [tilespmem:v6+s12+$0x0], vm1  }
0xd8: {  	v30 =	vnsel vm2, $0x0, v22;
	vm2 =	vgt.s32 v21, $0x0;
	v22 =	vadd.s32 $0xFFFF3C80, v25;
	v31 =	vld [tilespmem:s24+$0x30]  }
0xd9: {  	v32 =	vnsel vm3, $0x0, v20;
	vm3 =	vgt.s32 v22, $0x0;
	v20 =	vadd.s32 $0xFFFF3C80, v26;
	v33 =	vld [tilespmem:s24+$0x40]  }
0xda: {  	v34 =	vnsel vm2, $0x0, v21;
	vm2 =	vgt.s32 v20, $0x0;
	v21 =	vadd.s32 $0xFFFF3C80, v27;
	v35 =	vld [tilespmem:s24+$0x50]  }
0xdb: {  	s21 =	sadd.s32 $0x80, s21;
	v37 =	vnsel vm3, $0x0, v22;
	v36 =	vld [tilespmem:s24+$0xFFFFFF80];
	v38 =	vnsel vm2, $0x0, v20;
	vm2 =	vgt.s32 v21, $0x0  }
0xdc: {  	vm13 =	vgt.s32 v3, $0xC37F;
	vm12 =	vgt.s32 v4, $0xC37F;
	v39 =	vnsel vm2, $0x0, v21;
	v3 =	vld [tilespmem:s21+$0x30]  }
0xdd: {  	v21 =	vshrl.u32 v0, $0x10;
	v22 =	vshrl.u32 v6, $0x10;
	v4 =	vld [tilespmem:s21+$0xFFFFFFC0];
	v40 =	vadd.s32 $0xFFFF3C80, v31  }
0xde: {  	v23 =	vand.u32 $0x1, v21;
	v22 =	vand.u32 $0x1, v22;
	v20 =	vld [tilespmem:s21+$0xFFFFFFD0];
	v41 =	vadd.s32 $0xFFFF3C80, v33  }
0xdf: {  	v0 =	vadd.s32 v23, v0;
	v6 =	vadd.s32 v22, v6;
	v21 =	vld [tilespmem:s21+$0xFFFFFFE0];
	v42 =	vadd.s32 $0xFFFF3C80, v35  }
0xe0: {  	v0 =	vadd.s32 $0x7FFF, v0;
	v6 =	vadd.s32 $0x7FFF, v6;
	v43 =	vadd.s32 $0xFFFF3C80, v36;
	v22 =	vld [tilespmem:s21+$0xFFFFFFF0]  }
0xe1: {  	v0 =	vshrl.u32 v0, $0x10;
	v23 =	vld [tilespmem:s21+$0x0];
	v44 =	vand.u32 $0xFFFF, v3;
	v3 =	vsel vm1, v6, v3  }
0xe2: {  	vm1 =	vgt.s32 v43, $0x0;
	v5 =	vld.idx.msk [tilespmem:v5+s12+$0x0], vm13;
	v0 =	vsel vm0, v0, v44;
	v3 =	vand.u32 $0xFFFF0000, v3  }
0xe3: {  	vm2 =	vgt.s32 v41, $0x0;
	vm0 =	vgt.s32 v40, $0x0;
	v19 =	vld.idx.msk [tilespmem:v19+s12+$0x0], vm12;
	v3 =	vor.u32 v0, v3  }
0xe4: {  	v43 =	vnsel vm1, $0x0, v43;
	vm1 =	vgt.s32 v42, $0x0;
	v40 =	vnsel vm0, $0x0, v40;
	v0 =	vld [tilespmem:s21+$0x10];
	[tilespmem:s21+$0x30] =	vst v3  }
0xe5: {  	vm0 =	vgt.s32 v36, $0xC37F;
	v36 =	vnsel vm2, $0x0, v41;
	v41 =	vnsel vm1, $0x0, v42;
	v6 =	vld [tilespmem:s21+$0x20]  }
0xe6: {  	vm9 =	vgt.s32 v2, $0xC37F;
	vm4 =	vgt.s32 v7, $0xC37F;
	vm8 =	vgt.s32 v12, $0xC37F  }
0xe7: {  	vm5 =	vgt.s32 v1, $0xC37F;
	vm10 =	vgt.s32 v24, $0xC37F;
	vm2 =	vgt.s32 v25, $0xC37F  }
0xe8: {  	vm11 =	vgt.s32 v26, $0xC37F;
	vm3 =	vgt.s32 v27, $0xC37F;
	vm6 =	vgt.s32 v31, $0xC37F  }
0xe9: {  	vm7 =	vgt.s32 v35, $0xC37F;
	vm1 =	vgt.s32 v33, $0xC37F;
	v2 =	vshrl.u32 v5, $0x10  }
0xea: {  	v1 =	vand.u32 $0xFFFF, v4;
	v2 =	vand.u32 $0x1, v2;
	v3 =	vshrl.u32 v19, $0x10  }
0xeb: {  	v2 =	vadd.s32 v2, v5;
	v3 =	vand.u32 $0x1, v3;
	v5 =	vand.u32 $0xFFFF, v20;
	v24 =	vld.idx.msk [tilespmem:v43+s12+$0x0], vm0  }
0xec: {  	v2 =	vadd.s32 $0x7FFF, v2;
	v7 =	vadd.s32 v3, v19;
	v3 =	vand.u32 $0xFFFF, v21;
	v25 =	vld.idx.msk [tilespmem:v28+s12+$0x0], vm9  }
0xed: {  	v12 =	vsel vm13, v2, v4;
	v2 =	vadd.s32 $0x7FFF, v7;
	v4 =	vand.u32 $0xFFFF, v22;
	v26 =	vld.idx.msk [tilespmem:v29+s12+$0x0], vm4  }
0xee: {  	v7 =	vand.u32 $0xFFFF, v0;
	v27 =	vshrl.u32 v2, $0x10;
	v2 =	vand.u32 $0xFFFF, v23;
	v28 =	vld.idx.msk [tilespmem:v30+s12+$0x0], vm8  }
0xef: {  	v19 =	vand.u32 $0xFFFF0000, v12;
	v12 =	vand.u32 $0xFFFF, v6;
	v5 =	vsel vm12, v27, v5;
	v27 =	vld.idx.msk [tilespmem:v32+s12+$0x0], vm5  }
0xf0: {  	v8 =	vor.u32 v8, v9;
	v9 =	vor.u32 v10, v13;
	v10 =	vor.u32 v14, v17;
	v29 =	vld.idx.msk [tilespmem:v34+s12+$0x0], vm10  }
0xf1: {  	v13 =	vshrl.u32 v24, $0x10;
	v14 =	vld.idx.msk [tilespmem:v37+s12+$0x0], vm2;
	[tilespmem:s22+$0xFFFFFFE0] =	vst v8;
	v8 =	vor.u32 v11, v15;
	v11 =	vor.u32 v16, v18  }
0xf2: {  	v13 =	vand.u32 $0x1, v13;
	v15 =	vshrl.u32 v25, $0x10;
	v16 =	vld.idx.msk [tilespmem:v38+s12+$0x0], vm11;
	[tilespmem:s22+$0xFFFFFFF0] =	vst v9  }
0xf3: {  	v9 =	vadd.s32 v13, v24;
	v13 =	vand.u32 $0x1, v15;
	v15 =	vshrl.u32 v26, $0x10;
	v17 =	vld.idx.msk [tilespmem:v39+s12+$0x0], vm3;
	[tilespmem:s22+$0x0] =	vst v10  }
0xf4: {  	v10 =	vadd.s32 v13, v25;
	v13 =	vand.u32 $0x1, v15;
	v15 =	vshrl.u32 v28, $0x10;
	v18 =	vld.idx.msk [tilespmem:v40+s12+$0x0], vm6;
	[tilespmem:s22+$0x10] =	vst v8  }
0xf5: {  	v8 =	vadd.s32 v13, v26;
	v13 =	vand.u32 $0x1, v15;
	v15 =	vshrl.u32 v27, $0x10;
	v24 =	vld.idx.msk [tilespmem:v36+s12+$0x0], vm1;
	[tilespmem:s22+$0x20] =	vst v11;
	s22 =	smov.u32 s21  }
0xf6: {  	v11 =	vadd.s32 v13, v28;
	v13 =	vand.u32 $0x1, v15;
	v15 =	vshrl.u32 v29, $0x10;
	v25 =	vld.idx.msk [tilespmem:v41+s12+$0x0], vm7  }
0xf7: {  	v13 =	vadd.s32 v13, v27;
	v15 =	vand.u32 $0x1, v15;
	v26 =	vshrl.u32 v14, $0x10  }
0xf8: {  	v15 =	vadd.s32 v15, v29;
	v26 =	vand.u32 $0x1, v26;
	v27 =	vshrl.u32 v16, $0x10  }
0xf9: {  	v14 =	vadd.s32 v26, v14;
	v26 =	vand.u32 $0x1, v27;
	v27 =	vshrl.u32 v17, $0x10  }
0xfa: {  	v16 =	vadd.s32 v26, v16;
	v26 =	vand.u32 $0x1, v27;
	v27 =	vshrl.u32 v18, $0x10  }
0xfb: {  	v17 =	vadd.s32 v26, v17;
	v26 =	vand.u32 $0x1, v27;
	v27 =	vshrl.u32 v24, $0x10  }
0xfc: {  	v18 =	vadd.s32 v26, v18;
	v26 =	vand.u32 $0x1, v27;
	v27 =	vshrl.u32 v25, $0x10  }
0xfd: {  	v9 =	vadd.s32 $0x7FFF, v9;
	v26 =	vadd.s32 v26, v24;
	v24 =	vand.u32 $0x1, v27  }
0xfe: {  	v10 =	vadd.s32 $0x7FFF, v10;
	v8 =	vadd.s32 $0x7FFF, v8;
	v27 =	vadd.s32 v24, v25  }
0xff: {  	v11 =	vadd.s32 $0x7FFF, v11;
	v13 =	vadd.s32 $0x7FFF, v13;
	v15 =	vadd.s32 $0x7FFF, v15  }
.Ltmp1:
0x100: {  	v14 =	vadd.s32 $0x7FFF, v14;
	v28 =	vadd.s32 $0x7FFF, v16;
	v29 =	vadd.s32 $0x7FFF, v17;
	(pc) =	sbr.rel @p0 .LBB2_5-.Ltmp1, $4  }
0x101: {  	v24 =	vadd.s32 $0x7FFF, v18;
	v25 =	vadd.s32 $0x7FFF, v26;
	v17 =	vadd.s32 $0x7FFF, v27  }
0x102: {  	v8 =	vshrl.u32 v8, $0x10;
	v16 =	vsel vm9, v10, v20;
	v18 =	vshrl.u32 v9, $0x10  }
0x103: {  	v10 =	vshrl.u32 v13, $0x10;
	v13 =	vsel vm10, v15, v22;
	v9 =	vsel vm8, v11, v21  }
0x104: {  	s24 =	sadd.s32 $0x100, s24;
	v14 =	vshrl.u32 v14, $0x10;
	v15 =	vsel vm11, v28, v23;
	v11 =	vshrl.u32 v29, $0x10  }
0x105: {  	v0 =	vsel vm6, v24, v0;
	v20 =	vshrl.u32 v25, $0x10;
	v1 =	vsel vm0, v18, v1  }
0x106: {  	v6 =	vsel vm7, v17, v6;
	v16 =	vand.u32 $0xFFFF0000, v16;
	v1 =	vor.u32 v1, v19  }
0x107: {  	v3 =	vsel vm4, v8, v3;
	v57 =	vand.u32 $0xFFFF0000, v9;
	v5 =	vor.u32 v5, v16;
	[tilespmem:s21+$0xFFFFFFC0] =	vst v1  }
0x108: {  	v2 =	vsel vm2, v14, v2;
	v60 =	vand.u32 $0xFFFF0000, v15;
	v3 =	vor.u32 v3, v57;
	[tilespmem:s21+$0xFFFFFFD0] =	vst v5  }
0x109: {  	v58 =	vsel vm5, v10, v4;
	v59 =	vand.u32 $0xFFFF0000, v13;
	p0 =	sne.s32 s20, $0xD;
	v2 =	vor.u32 v2, v60;
	[tilespmem:s22+$0xFFFFFFE0] =	vst v3  }
.Ltmp2:
0x10a: {  	v61 =	vsel vm3, v11, v7;
	s18 =	sshll.u32 s18, $0x10;
	v0 =	vand.u32 $0xFFFF0000, v0;
	v1 =	vor.u32 v58, v59;
	[tilespmem:s22+$0x0] =	vst v2;
	(pc) =	sbr.rel @p0 .LBB2_2-.Ltmp2, $4  }
0x10b: {  	v62 =	vsel vm1, v20, v12;
	v63 =	vand.u32 $0xFFFF0000, v6;
	s18 =	sor.u32 s19, s18;
	v0 =	vor.u32 v61, v0;
	[tilespmem:s22+$0xFFFFFFF0] =	vst v1  }
0x10c: {  	s18 =	sshrl.u32 s18, $0x3;
	v1 =	vor.u32 v62, v63;
	[tilespmem:s22+$0x10] =	vst v0  }
0x10d: {  	s18 =	sadd.s32 s6, s18;
	[tilespmem:s22+$0x20] =	vst v1  }
0x10e: {  	[hbm4b:s18+s9] =	stream.strided.scatter [tilespmem:s14], [sflag:$0x3], $0x2000, s10, s9, $0x38;
	[tilespmem:$0x1E700] =	vst v63  }
0x10f: {  	s16 =	sadd.s32 $0x1, s16  }
0x110: {  	p0 =	sne.s32 s16, s8  }
.Ltmp3:
0x111: {  	_ = 	snop;
	(pc) =	sbr.rel @p0 .LBB2_1-.Ltmp3, $4  }
0x112: {  	_ = 	snop  }
0x113: {  	_ =	swait.ge [sflag:s15], $0x2000  }
0x114: {  	[sflag:s15] =	ssyncset.done $0x0  }
0x115: {  	[sflag:s15] =	ssyncadd.s32 $0xFFFFE000  }
0x116: {  	_ =	sfence.sel $0x180000  }
0x117: {  	[bflag:$0x0] =	sbarrier.arrive $0xFFFF  }
0x118: {  	p0 =	sne.s32 s0, $0x0;
	_ =	strace $0x90000047  }
0x119: {  	s0 =	sadd.s32 @!p0 $0x100000, s2;
	[bflag:$0x2] =	sbarrier.arrive $0xFFFF  }
0x11a: {  	[sflag:s0] =	ssyncadd.tile.s32 @!p0 $0x1;
	_ =	shalt  }
.Lfunc_end2:
_tile_overlayer_lowered:
.L_overlay_start_2:
0x11b: {  	(tag) =	ssettag $0x2  }
0x11c: {  	s0 =	rddreg [dreg:$0x0];
	s2 =	stileid.u32  }
0x11d: {  	s1 =	rddreg [dreg:$0x1];
	p0 =	sne.s32 s2, $0x0  }
0x11e: {  	s3 =	rddreg [dreg:$0x2];
	[bflag:$0x3] =	sbarrier.arrive $0xFFFF;
	s2 =	simm.s32 @!p0 $0x1C04  }
0x11f: {  	[timem:s3], [sflag:s2] =	dma.local @!p0 [hbm:s0], s1  }
0x120: {  	s0 =	simm.s32 @!p0 $0x4  }
0x121: {  	_ =	swait.ge @!p0 [sflag:s0], s1  }
0x122: {  	s1 =	ssub.s32 @!p0 $0x0, s1;
	[sflag:s0] =	ssyncset.done @!p0 $0x0  }
0x123: {  	[sflag:s0] =	ssyncadd.s32 @!p0 s1  }
0x124: {  	[bflag:$0x3] =	sbarrier.arrive $0xFFFF  }
0x125: {  	_ =	shalt  }

</sc_bundles>
